<compile_context>
chip_gen: v7x
topology: tpu7x:2x2x1
jax: 0.10.2.dev20260603
libtpu: 0.0.44.dev20260713+nightly
codegen_flags: <defaults>
</compile_context>

<pallas_src>
import jax
import jax.numpy as jnp
from jax import lax
from jax.experimental import pallas as pl
from jax.experimental.pallas import tpu as pltpu
from jax.experimental.pallas import tpu_sc as plsc

N = 10000
E = 320000
IN_DIM = 128
HID = 128
NC = 40
ALPHA = 0.1
K = 10

NCORE = 2
NT = 16
W = 48
WC = W // NCORE
ROWS_T = 640
NP = NT * ROWS_T
RB = 64
NB = ROWS_T // RB
CH = 128
NCH = 160
EPT = NCH * CH
MB = 1024

SL0, SL1 = 0, WC - 16


def _mlp_body(h_ref, w0_ref, b0_ref, w1_ref, b1_ref, w2_ref, b2_ref, o_ref):
    x = jnp.dot(h_ref[...], w0_ref[...], preferred_element_type=jnp.float32)
    x = jnp.maximum(x + b0_ref[...], 0.0)
    x = jnp.dot(x, w1_ref[...], preferred_element_type=jnp.float32)
    x = jnp.maximum(x + b1_ref[...], 0.0)
    o_ref[...] = (
        jnp.dot(x, w2_ref[...], preferred_element_type=jnp.float32) + b2_ref[...]
    )


def _mlp(hp, W0, b0, W1, b1, W2p, b2p):
    return pl.pallas_call(
        _mlp_body,
        grid=(NP // MB,),
        in_specs=[
            pl.BlockSpec((MB, IN_DIM), lambda i: (i, 0)),
            pl.BlockSpec((IN_DIM, HID), lambda i: (0, 0)),
            pl.BlockSpec((1, HID), lambda i: (0, 0)),
            pl.BlockSpec((HID, HID), lambda i: (0, 0)),
            pl.BlockSpec((1, HID), lambda i: (0, 0)),
            pl.BlockSpec((HID, W), lambda i: (0, 0)),
            pl.BlockSpec((1, W), lambda i: (0, 0)),
        ],
        out_specs=pl.BlockSpec((MB, W), lambda i: (i, 0)),
        out_shape=jax.ShapeDtypeStruct((NP, W), jnp.float32),
    )(hp, W0, b0, W1, b1, W2p, b2p)


NCH2 = NCH // NCORE


def _deg_body(dstm_hbm, deg_hbm, agg_sh, dst_v, ones_v, zeros_v):
    cid = lax.axis_index("c")
    sid = lax.axis_index("s")
    base = sid * ROWS_T

    pltpu.sync_copy(dstm_hbm.at[sid, pl.ds(cid * NCH2, NCH2)], dst_v)

    zeros16 = jnp.zeros((16,), jnp.float32)
    ones16 = jnp.ones((16,), jnp.float32)

    def init_bufs(r, c):
        zeros_v[r, pl.ds(0, 16)] = zeros16
        return c
    lax.fori_loop(0, RB, init_bufs, 0)

    def init_ones(r, c):
        ones_v[r, pl.ds(0, 16)] = ones16
        return c
    lax.fori_loop(0, CH, init_ones, 0)

    def zero_blk(b, c):
        pltpu.sync_copy(zeros_v, agg_sh.at[pl.ds(base + b * RB, RB)])
        return c
    lax.fori_loop(0, NB, zero_blk, 0)
    plsc.subcore_barrier()

    def deg_chunk(j, c):
        pltpu.sync_copy(ones_v, agg_sh.at[dst_v.at[j]], add=True)
        return c
    lax.fori_loop(0, NCH2, deg_chunk, 0)
    plsc.subcore_barrier()

    def out_blk(b, c):
        pltpu.sync_copy(agg_sh.at[pl.ds(base + b * RB, RB)],
                        deg_hbm.at[pl.ds(cid * NP + base + b * RB, RB)])
        return c
    lax.fori_loop(0, NB, out_blk, 0)


_deg = pl.kernel(
    _deg_body,
    out_type=jax.ShapeDtypeStruct((NCORE * NP, 16), jnp.float32),
    mesh=plsc.VectorSubcoreMesh(
        core_axis_name="c", subcore_axis_name="s",
        num_cores=NCORE, num_subcores=NT),
    compiler_params=pltpu.CompilerParams(use_tc_tiling_on_sc=False),
    scratch_types=[
        pltpu.VMEM_SHARED((NP, 16), jnp.float32),
        pltpu.VMEM((NCH2, CH), jnp.int32),
        pltpu.VMEM((CH, 16), jnp.float32),
        pltpu.VMEM((RB, 16), jnp.float32),
    ],
)


def _rsqrt16(x):
    i = lax.bitcast_convert_type(x, jnp.int32)
    i = 1597463007 - lax.shift_right_logical(i, 1)
    y = lax.bitcast_convert_type(i, jnp.float32)
    for _ in range(3):
        y = y * (1.5 - 0.5 * x * y * y)
    return y


def _prop_body(x0_hbm, degp_hbm, srcm_hbm, dstm_hbm, out_hbm,
               z_sh, agg_sh, src_v, dst_v, hz_v, c1w_v, abuf, gbuf, zeros_v,
               dbuf0, dbuf1, gsem):
    cid = lax.axis_index("c")
    sid = lax.axis_index("s")
    base = sid * ROWS_T
    hbase = cid * NP + base

    pltpu.sync_copy(srcm_hbm.at[sid], src_v)
    pltpu.sync_copy(dstm_hbm.at[sid], dst_v)
    pltpu.sync_copy(x0_hbm.at[pl.ds(hbase, ROWS_T)], hz_v)

    zeros16 = jnp.zeros((16,), jnp.float32)

    def init_zeros(r, c):
        zeros_v[r, pl.ds(SL0, 16)] = zeros16
        zeros_v[r, pl.ds(SL1, 16)] = zeros16
        return c
    lax.fori_loop(0, RB, init_zeros, 0)

    def zero_blk(b, c):
        pltpu.sync_copy(zeros_v, agg_sh.at[pl.ds(base + b * RB, RB)])
        return c
    lax.fori_loop(0, NB, zero_blk, 0)

    def prep_blk(b, c):
        rbase = base + b * RB
        pltpu.sync_copy(degp_hbm.at[pl.ds(rbase, RB)], dbuf0)
        pltpu.sync_copy(degp_hbm.at[pl.ds(NP + rbase, RB)], dbuf1)

        def prep_row(r, c2):
            rl = b * RB + r
            deg = dbuf0[r, pl.ds(0, 16)] + dbuf1[r, pl.ds(0, 16)]
            dc = jnp.maximum(deg, 1.0)
            nrm = _rsqrt16(dc)
            rowid = jnp.zeros((16,), jnp.int32) + (rbase + r)
            validf = jnp.clip((N - rowid).astype(jnp.float32), 0.0, 1.0)
            nrm = nrm * validf
            c1 = validf * ((1.0 - ALPHA) / dc)
            c1w_v[rl, pl.ds(0, 16)] = c1
            x00 = hz_v[rl, pl.ds(SL0, 16)]
            x01 = hz_v[rl, pl.ds(SL1, 16)]
            abuf[r, pl.ds(SL0, 16)] = nrm * x00
            abuf[r, pl.ds(SL1, 16)] = nrm * x01
            hz_v[rl, pl.ds(SL0, 16)] = ALPHA * nrm * x00
            hz_v[rl, pl.ds(SL1, 16)] = ALPHA * nrm * x01
            return c2
        lax.fori_loop(0, RB, prep_row, 0)
        pltpu.sync_copy(abuf, z_sh.at[pl.ds(rbase, RB)])
        return c
    lax.fori_loop(0, NB, prep_blk, 0)
    plsc.subcore_barrier()

    def _gwait(s):
        pltpu.make_async_copy(x0_hbm.at[pl.ds(0, CH)], gbuf.at[s],
                              gsem).wait()

    def edge_pass():
        pltpu.async_copy(z_sh.at[src_v.at[0]], gbuf.at[0], gsem)

        def pair(t, c2):
            r0 = 2 * t
            _gwait(0)
            pltpu.async_copy(z_sh.at[src_v.at[r0 + 1]], gbuf.at[1], gsem)
            pltpu.sync_copy(gbuf.at[0], agg_sh.at[dst_v.at[r0]], add=True)
            _gwait(1)
            pltpu.async_copy(z_sh.at[src_v.at[r0 + 2]], gbuf.at[0], gsem)
            pltpu.sync_copy(gbuf.at[1], agg_sh.at[dst_v.at[r0 + 1]],
                            add=True)
            return c2
        lax.fori_loop(0, NCH // 2 - 1, pair, 0)

        _gwait(0)
        pltpu.async_copy(z_sh.at[src_v.at[NCH - 1]], gbuf.at[1], gsem)
        pltpu.sync_copy(gbuf.at[0], agg_sh.at[dst_v.at[NCH - 2]], add=True)
        _gwait(1)
        pltpu.sync_copy(gbuf.at[1], agg_sh.at[dst_v.at[NCH - 1]], add=True)
        plsc.subcore_barrier()

    def round_body(k, c):
        edge_pass()

        def upd_blk(b, c2):
            rbase = base + b * RB
            pltpu.sync_copy(agg_sh.at[pl.ds(rbase, RB)], abuf)

            def upd_row(r, c3):
                rl = b * RB + r
                c1 = c1w_v[rl, pl.ds(0, 16)]
                a0 = abuf[r, pl.ds(SL0, 16)]
                a1 = abuf[r, pl.ds(SL1, 16)]
                abuf[r, pl.ds(SL0, 16)] = c1 * a0 + hz_v[rl, pl.ds(SL0, 16)]
                abuf[r, pl.ds(SL1, 16)] = c1 * a1 + hz_v[rl, pl.ds(SL1, 16)]
                return c3
            lax.fori_loop(0, RB, upd_row, 0)
            pltpu.sync_copy(abuf, z_sh.at[pl.ds(rbase, RB)])
            pltpu.sync_copy(zeros_v, agg_sh.at[pl.ds(rbase, RB)])
            return c2
        lax.fori_loop(0, NB, upd_blk, 0)
        plsc.subcore_barrier()
        return c
    lax.fori_loop(0, K - 1, round_body, 0)

    edge_pass()

    def fin_blk(b, c):
        rbase = base + b * RB
        pltpu.sync_copy(agg_sh.at[pl.ds(rbase, RB)], abuf)

        def fin_row(r, c2):
            rl = b * RB + r
            c1 = c1w_v[rl, pl.ds(0, 16)]
            rn = _rsqrt16(c1 * (1.0 / (1.0 - ALPHA)))
            a0 = abuf[r, pl.ds(SL0, 16)]
            a1 = abuf[r, pl.ds(SL1, 16)]
            z0 = c1 * a0 + hz_v[rl, pl.ds(SL0, 16)]
            z1 = c1 * a1 + hz_v[rl, pl.ds(SL1, 16)]
            abuf[r, pl.ds(SL0, 16)] = z0 * rn
            abuf[r, pl.ds(SL1, 16)] = z1 * rn
            return c2
        lax.fori_loop(0, RB, fin_row, 0)
        pltpu.sync_copy(abuf, out_hbm.at[pl.ds(cid * NP + rbase, RB)])
        return c
    lax.fori_loop(0, NB, fin_blk, 0)


_prop = pl.kernel(
    _prop_body,
    out_type=jax.ShapeDtypeStruct((NCORE * NP, WC), jnp.float32),
    mesh=plsc.VectorSubcoreMesh(
        core_axis_name="c", subcore_axis_name="s",
        num_cores=NCORE, num_subcores=NT),
    compiler_params=pltpu.CompilerParams(use_tc_tiling_on_sc=False),
    scratch_types=[
        pltpu.VMEM_SHARED((NP, WC), jnp.float32),
        pltpu.VMEM_SHARED((NP, WC), jnp.float32),
        pltpu.VMEM((NCH, CH), jnp.int32),
        pltpu.VMEM((NCH, CH), jnp.int32),
        pltpu.VMEM((ROWS_T, WC), jnp.float32),
        pltpu.VMEM((ROWS_T, 16), jnp.float32),
        pltpu.VMEM((RB, WC), jnp.float32),
        pltpu.VMEM((2, CH, WC), jnp.float32),
        pltpu.VMEM((RB, WC), jnp.float32),
        pltpu.VMEM((RB, 16), jnp.float32),
        pltpu.VMEM((RB, 16), jnp.float32),
        pltpu.SemaphoreType.DMA,
    ],
)


def kernel(h, edge_index, e, snorm_n, snorm_e, W0, b0, W1, b1, W2, b2):
    del e, snorm_n, snorm_e
    hp = jnp.pad(h, ((0, NP - N), (0, 0)))
    W2p = jnp.pad(W2, ((0, 0), (0, W - NC)))
    b2p = jnp.pad(b2, ((0, W - NC)))
    x0 = _mlp(hp, W0, b0.reshape(1, HID), W1, b1.reshape(1, HID),
              W2p, b2p.reshape(1, W))
    x0c = x0.reshape(NP, NCORE, WC).transpose(1, 0, 2).reshape(NCORE * NP, WC)

    pad = NT * EPT - E
    pad_idx = N + (jnp.arange(pad, dtype=jnp.int32) % (NP - N))
    srcm = jnp.concatenate([edge_index[0], pad_idx]).reshape(NT, NCH, CH)
    dstm = jnp.concatenate([edge_index[1], pad_idx]).reshape(NT, NCH, CH)

    degp = _deg(dstm)
    outc = _prop(x0c, degp, srcm, dstm)
    out = outc.reshape(NCORE, NP, WC).transpose(1, 0, 2).reshape(NP, W)
    return out[:N, :NC]

# --- scband reference (transcript-rebuilt; emitter-appended) ---
"""Pipeline reference for scband-appnpnet-65919158059665 (READ-ONLY COPY).

The authoritative reference and input builder live on the scoring server;
editing this copy changes nothing except your own understanding.
"""

import jax, jax.numpy as jnp
import numpy as np

N = 10000
E = 320000
IN_DIM = 128
HID = 128
NC = 40
ALPHA = 0.1
K = 10


def _uniform(key, shape, fan_in):
    s = 1.0 / np.sqrt(fan_in)
    return jax.random.uniform(key, shape, minval=-s, maxval=s, dtype=jnp.float32)


def setup_inputs(seed: int = 0) -> dict:
    key = jax.random.key(seed)
    ks = jax.random.split(key, 12)
    h = jax.random.normal(ks[0], (N, IN_DIM), dtype=jnp.float32)
    edge_index = jax.random.randint(ks[1], (2, E), 0, N, dtype=jnp.int32)
    e = jax.random.normal(ks[2], (E, 1), dtype=jnp.float32)
    snorm_n = jnp.ones((N, 1), dtype=jnp.float32)
    snorm_e = jnp.ones((E, 1), dtype=jnp.float32)
    W0 = _uniform(ks[3], (IN_DIM, HID), IN_DIM)
    b0 = _uniform(ks[4], (HID,), IN_DIM)
    W1 = _uniform(ks[5], (HID, HID), HID)
    b1 = _uniform(ks[6], (HID,), HID)
    W2 = _uniform(ks[7], (HID, NC), HID)
    b2 = _uniform(ks[8], (NC,), HID)
    return {"h": h, "edge_index": edge_index, "e": e, "snorm_n": snorm_n,
            "snorm_e": snorm_e, "W0": W0, "b0": b0, "W1": W1, "b1": b1,
            "W2": W2, "b2": b2}


def reference(h, edge_index, e, snorm_n, snorm_e, W0, b0, W1, b1, W2, b2):
    # MLP part of APPNP (dropout p=0.0 -> identity): Linear -> relu -> Linear -> relu -> Linear
    x = h @ W0 + b0
    x = jax.nn.relu(x) @ W1 + b1
    x = jax.nn.relu(x) @ W2 + b2
    # APPNPConv(k=10, alpha=0.1) with symmetric D^{-1/2} normalization (DGL uses in-degrees)
    src = edge_index[0]
    dst = edge_index[1]
    deg = jnp.zeros((N,), dtype=x.dtype).at[dst].add(1.0)
    norm = jnp.power(jnp.clip(deg, 1.0, None), -0.5)[:, None]
    h0 = x
    for _ in range(K):
        x = x * norm
        agg = jnp.zeros_like(x).at[dst].add(x[src])
        x = agg * norm
        x = (1.0 - ALPHA) * x + ALPHA * h0
    return x

if __name__ == "__main__":
    import jax
    _d = setup_inputs()
    print(jax.jit(kernel)(*tuple(_d.values())))

</pallas_src>

<mosaic_0001>
#map = affine_map<(d0, d1) -> (0, 0)>
#map1 = affine_map<(d0, d1) -> (0, 0, 0)>
module attributes {stable_mosaic.version = 14 : i64} {
  func.func @_prop_body(%arg0: i32, %arg1: i32, %arg2: memref<20480x24xf32, #tpu.memory_space<hbm>>, %arg3: memref<20480x16xf32, #tpu.memory_space<hbm>>, %arg4: memref<16x160x128xi32, #tpu.memory_space<hbm>>, %arg5: memref<16x160x128xi32, #tpu.memory_space<hbm>>, %arg6: memref<20480x24xf32, #tpu.memory_space<hbm>>, %arg7: memref<10240x24xf32, #tpu.memory_space<vmem_shared>>, %arg8: memref<10240x24xf32, #tpu.memory_space<vmem_shared>>, %arg9: memref<160x128xi32, #tpu.memory_space<vmem>>, %arg10: memref<160x128xi32, #tpu.memory_space<vmem>>, %arg11: memref<640x24xf32, #tpu.memory_space<vmem>>, %arg12: memref<640x16xf32, #tpu.memory_space<vmem>>, %arg13: memref<64x24xf32, #tpu.memory_space<vmem>>, %arg14: memref<2x128x24xf32, #tpu.memory_space<vmem>>, %arg15: memref<64x24xf32, #tpu.memory_space<vmem>>, %arg16: memref<64x16xf32, #tpu.memory_space<vmem>>, %arg17: memref<64x16xf32, #tpu.memory_space<vmem>>, %arg18: memref<!tpu.dma_semaphore, #tpu.memory_space<semaphore_mem>>) attributes {dimension_semantics = [#tpu.dimension_semantics<core_parallel>, #tpu.dimension_semantics<subcore_parallel>], iteration_bounds = array<i64: 2, 16>, scalar_prefetch = 0 : i64, scratch_operands = 12 : i64, tpu.core_type = #tpu.core_type<sc_vector_subcore>, window_params = [{transform_indices = #map}, {transform_indices = #map}, {transform_indices = #map1}, {transform_indices = #map1}, {transform_indices = #map}]} {
    %mul3A = arith.constant 640 : i32
    %mul3A_0 = arith.muli %arg1, %mul3A : i32
    %mul3A_1 = arith.constant 10240 : i32
    %mul3A_2 = arith.muli %arg0, %mul3A_1 : i32
    %add3A = arith.addi %mul3A_2, %mul3A_0 : i32
    "tpu.region"() ({
      %run_scoped3A_95 = tpu.sem_alloc : memref<!tpu.dma_semaphore, #tpu.memory_space<semaphore_mem>>
      %dma_start3A_96 = arith.constant 0 : i32
      %dma_start3A_97 = arith.constant 0 : i32
      %dma_start3A_98 = tpu.memref_slice %arg4[%arg1, %dma_start3A_96, %dma_start3A_97] : memref<16x160x128xi32, #tpu.memory_space<hbm>> -> memref<1x160x128xi32, #tpu.memory_space<hbm>>
      %dma_start3A_99 = tpu.memref_squeeze %dma_start3A_98 : memref<1x160x128xi32, #tpu.memory_space<hbm>> -> memref<160x128xi32, #tpu.memory_space<hbm>>
      %dma_start3A_100 = arith.constant 0 : i32
      %dma_start3A_101 = arith.constant 0 : i32
      %dma_start3A_102 = tpu.memref_slice %arg4[%arg1, %dma_start3A_100, %dma_start3A_101] : memref<16x160x128xi32, #tpu.memory_space<hbm>> -> memref<1x160x128xi32, #tpu.memory_space<hbm>>
      %dma_start3A_103 = tpu.memref_squeeze %dma_start3A_102 : memref<1x160x128xi32, #tpu.memory_space<hbm>> -> memref<160x128xi32, #tpu.memory_space<hbm>>
      tpu.enqueue_dma source(%dma_start3A_103 : memref<160x128xi32, #tpu.memory_space<hbm>>) target(%arg9 : memref<160x128xi32, #tpu.memory_space<vmem>>) target_semaphore(%run_scoped3A_95 : memref<!tpu.dma_semaphore, #tpu.memory_space<semaphore_mem>>)
      %dma_wait3A_104 = arith.constant 0 : i32
      %dma_wait3A_105 = arith.constant 0 : i32
      %dma_wait3A_106 = tpu.memref_slice %arg4[%arg1, %dma_wait3A_104, %dma_wait3A_105] : memref<16x160x128xi32, #tpu.memory_space<hbm>> -> memref<1x160x128xi32, #tpu.memory_space<hbm>>
      %dma_wait3A_107 = tpu.memref_squeeze %dma_wait3A_106 : memref<1x160x128xi32, #tpu.memory_space<hbm>> -> memref<160x128xi32, #tpu.memory_space<hbm>>
      %dma_wait3A_108 = arith.constant 0 : i32
      %dma_wait3A_109 = arith.constant 0 : i32
      %dma_wait3A_110 = tpu.memref_slice %arg4[%arg1, %dma_wait3A_108, %dma_wait3A_109] : memref<16x160x128xi32, #tpu.memory_space<hbm>> -> memref<1x160x128xi32, #tpu.memory_space<hbm>>
      %dma_wait3A_111 = tpu.memref_squeeze %dma_wait3A_110 : memref<1x160x128xi32, #tpu.memory_space<hbm>> -> memref<160x128xi32, #tpu.memory_space<hbm>>
      tpu.wait_dma2 semaphore(%run_scoped3A_95 : memref<!tpu.dma_semaphore, #tpu.memory_space<semaphore_mem>>) src(%dma_wait3A_111 : memref<160x128xi32, #tpu.memory_space<hbm>>) dst(%arg9 : memref<160x128xi32, #tpu.memory_space<vmem>>)
      tpu.yield
    }) : () -> ()
    "tpu.region"() ({
      %run_scoped3A_95 = tpu.sem_alloc : memref<!tpu.dma_semaphore, #tpu.memory_space<semaphore_mem>>
      %dma_start3A_96 = arith.constant 0 : i32
      %dma_start3A_97 = arith.constant 0 : i32
      %dma_start3A_98 = tpu.memref_slice %arg5[%arg1, %dma_start3A_96, %dma_start3A_97] : memref<16x160x128xi32, #tpu.memory_space<hbm>> -> memref<1x160x128xi32, #tpu.memory_space<hbm>>
      %dma_start3A_99 = tpu.memref_squeeze %dma_start3A_98 : memref<1x160x128xi32, #tpu.memory_space<hbm>> -> memref<160x128xi32, #tpu.memory_space<hbm>>
      %dma_start3A_100 = arith.constant 0 : i32
      %dma_start3A_101 = arith.constant 0 : i32
      %dma_start3A_102 = tpu.memref_slice %arg5[%arg1, %dma_start3A_100, %dma_start3A_101] : memref<16x160x128xi32, #tpu.memory_space<hbm>> -> memref<1x160x128xi32, #tpu.memory_space<hbm>>
      %dma_start3A_103 = tpu.memref_squeeze %dma_start3A_102 : memref<1x160x128xi32, #tpu.memory_space<hbm>> -> memref<160x128xi32, #tpu.memory_space<hbm>>
      tpu.enqueue_dma source(%dma_start3A_103 : memref<160x128xi32, #tpu.memory_space<hbm>>) target(%arg10 : memref<160x128xi32, #tpu.memory_space<vmem>>) target_semaphore(%run_scoped3A_95 : memref<!tpu.dma_semaphore, #tpu.memory_space<semaphore_mem>>)
      %dma_wait3A_104 = arith.constant 0 : i32
      %dma_wait3A_105 = arith.constant 0 : i32
      %dma_wait3A_106 = tpu.memref_slice %arg5[%arg1, %dma_wait3A_104, %dma_wait3A_105] : memref<16x160x128xi32, #tpu.memory_space<hbm>> -> memref<1x160x128xi32, #tpu.memory_space<hbm>>
      %dma_wait3A_107 = tpu.memref_squeeze %dma_wait3A_106 : memref<1x160x128xi32, #tpu.memory_space<hbm>> -> memref<160x128xi32, #tpu.memory_space<hbm>>
      %dma_wait3A_108 = arith.constant 0 : i32
      %dma_wait3A_109 = arith.constant 0 : i32
      %dma_wait3A_110 = tpu.memref_slice %arg5[%arg1, %dma_wait3A_108, %dma_wait3A_109] : memref<16x160x128xi32, #tpu.memory_space<hbm>> -> memref<1x160x128xi32, #tpu.memory_space<hbm>>
      %dma_wait3A_111 = tpu.memref_squeeze %dma_wait3A_110 : memref<1x160x128xi32, #tpu.memory_space<hbm>> -> memref<160x128xi32, #tpu.memory_space<hbm>>
      tpu.wait_dma2 semaphore(%run_scoped3A_95 : memref<!tpu.dma_semaphore, #tpu.memory_space<semaphore_mem>>) src(%dma_wait3A_111 : memref<160x128xi32, #tpu.memory_space<hbm>>) dst(%arg10 : memref<160x128xi32, #tpu.memory_space<vmem>>)
      tpu.yield
    }) : () -> ()
    "tpu.region"() ({
      %run_scoped3A_95 = tpu.sem_alloc : memref<!tpu.dma_semaphore, #tpu.memory_space<semaphore_mem>>
      %dma_start3A_96 = arith.constant 0 : i32
      %dma_start3A_97 = tpu.memref_slice %arg2[%add3A, %dma_start3A_96] : memref<20480x24xf32, #tpu.memory_space<hbm>> -> memref<640x24xf32, #tpu.memory_space<hbm>>
      %dma_start3A_98 = arith.constant 0 : i32
      %dma_start3A_99 = tpu.memref_slice %arg2[%add3A, %dma_start3A_98] : memref<20480x24xf32, #tpu.memory_space<hbm>> -> memref<640x24xf32, #tpu.memory_space<hbm>>
      tpu.enqueue_dma source(%dma_start3A_99 : memref<640x24xf32, #tpu.memory_space<hbm>>) target(%arg11 : memref<640x24xf32, #tpu.memory_space<vmem>>) target_semaphore(%run_scoped3A_95 : memref<!tpu.dma_semaphore, #tpu.memory_space<semaphore_mem>>)
      %dma_wait3A_100 = arith.constant 0 : i32
      %dma_wait3A_101 = tpu.memref_slice %arg2[%add3A, %dma_wait3A_100] : memref<20480x24xf32, #tpu.memory_space<hbm>> -> memref<640x24xf32, #tpu.memory_space<hbm>>
      %dma_wait3A_102 = arith.constant 0 : i32
      %dma_wait3A_103 = tpu.memref_slice %arg2[%add3A, %dma_wait3A_102] : memref<20480x24xf32, #tpu.memory_space<hbm>> -> memref<640x24xf32, #tpu.memory_space<hbm>>
      tpu.wait_dma2 semaphore(%run_scoped3A_95 : memref<!tpu.dma_semaphore, #tpu.memory_space<semaphore_mem>>) src(%dma_wait3A_103 : memref<640x24xf32, #tpu.memory_space<hbm>>) dst(%arg11 : memref<640x24xf32, #tpu.memory_space<vmem>>)
      tpu.yield
    }) : () -> ()
    %broadcast_in_dim3A = arith.constant 0.000000e+00 : f32
    %broadcast_in_dim3A_3 = vector.broadcast %broadcast_in_dim3A : f32 to vector<16xf32>
    %scan3A = arith.constant 0 : i32
    %scan3A_4 = arith.constant 0 : i32
    %scan3A_5 = arith.constant 64 : i32
    %scan3A_6 = arith.addi %scan3A_4, %scan3A_5 : i32
    %scan3A_7 = arith.constant 1 : i32
    scf.for %scan3A_95 = %scan3A_4 to %scan3A_6 step %scan3A_7  : i32 {
      %swap3A = arith.index_cast %scan3A_95 : i32 to index
      %swap3A_96 = arith.constant 0 : index
      %swap3A_97 = tpu.vector_load %arg15[%swap3A, %swap3A_96] {strides = array<i32>} : memref<64x24xf32, #tpu.memory_space<vmem>>, vector<1x16xf32>,
      %swap3A_98 = vector.shape_cast %swap3A_97 : vector<1x16xf32> to vector<16xf32>
      %swap3A_99 = vector.shape_cast %broadcast_in_dim3A_3 : vector<16xf32> to vector<1x16xf32>
      tpu.vector_store %arg15[%swap3A, %swap3A_96], %swap3A_99 {strides = array<i32>} : memref<64x24xf32, #tpu.memory_space<vmem>>, vector<1x16xf32>,
      %swap3A_100 = arith.index_cast %scan3A_95 : i32 to index
      %swap3A_101 = arith.constant 8 : index
      %swap3A_102 = tpu.vector_load %arg15[%swap3A_100, %swap3A_101] {strides = array<i32>} : memref<64x24xf32, #tpu.memory_space<vmem>>, vector<1x16xf32>,
      %swap3A_103 = vector.shape_cast %swap3A_102 : vector<1x16xf32> to vector<16xf32>
      %swap3A_104 = vector.shape_cast %broadcast_in_dim3A_3 : vector<16xf32> to vector<1x16xf32>
      tpu.vector_store %arg15[%swap3A_100, %swap3A_101], %swap3A_104 {strides = array<i32>} : memref<64x24xf32, #tpu.memory_space<vmem>>, vector<1x16xf32>,
    }
    %scan3A_8 = arith.constant 64 : i32
    %scan3A_9 = arith.constant 0 : i32
    %scan3A_10 = arith.constant 0 : i32
    %scan3A_11 = arith.constant 10 : i32
    %scan3A_12 = arith.addi %scan3A_10, %scan3A_11 : i32
    %scan3A_13 = arith.constant 1 : i32
    scf.for %scan3A_95 = %scan3A_10 to %scan3A_12 step %scan3A_13  : i32 {
      %mul3A_96 = arith.constant 64 : i32
      %mul3A_97 = arith.muli %scan3A_95, %mul3A_96 : i32
      %add3A_98 = arith.addi %mul3A_0, %mul3A_97 : i32
      "tpu.region"() ({
        %run_scoped3A_99 = tpu.sem_alloc : memref<!tpu.dma_semaphore, #tpu.memory_space<semaphore_mem>>
        %dma_start3A_100 = arith.constant 0 : i32
        %dma_start3A_101 = tpu.memref_slice %arg8[%add3A_98, %dma_start3A_100] : memref<10240x24xf32, #tpu.memory_space<vmem_shared>> -> memref<64x24xf32, #tpu.memory_space<vmem_shared>>
        %dma_start3A_102 = arith.constant 0 : i32
        %dma_start3A_103 = tpu.memref_slice %arg8[%add3A_98, %dma_start3A_102] : memref<10240x24xf32, #tpu.memory_space<vmem_shared>> -> memref<64x24xf32, #tpu.memory_space<vmem_shared>>
        tpu.enqueue_dma source(%arg15 : memref<64x24xf32, #tpu.memory_space<vmem>>) target(%dma_start3A_103 : memref<64x24xf32, #tpu.memory_space<vmem_shared>>) target_semaphore(%run_scoped3A_99 : memref<!tpu.dma_semaphore, #tpu.memory_space<semaphore_mem>>)
        %dma_wait3A_104 = arith.constant 0 : i32
        %dma_wait3A_105 = tpu.memref_slice %arg8[%add3A_98, %dma_wait3A_104] : memref<10240x24xf32, #tpu.memory_space<vmem_shared>> -> memref<64x24xf32, #tpu.memory_space<vmem_shared>>
        %dma_wait3A_106 = arith.constant 0 : i32
        %dma_wait3A_107 = tpu.memref_slice %arg8[%add3A_98, %dma_wait3A_106] : memref<10240x24xf32, #tpu.memory_space<vmem_shared>> -> memref<64x24xf32, #tpu.memory_space<vmem_shared>>
        tpu.wait_dma2 semaphore(%run_scoped3A_99 : memref<!tpu.dma_semaphore, #tpu.memory_space<semaphore_mem>>) src(%arg15 : memref<64x24xf32, #tpu.memory_space<vmem>>) dst(%dma_wait3A_107 : memref<64x24xf32, #tpu.memory_space<vmem_shared>>)
        tpu.yield
      }) : () -> ()
    }
    %scan3A_14 = arith.constant 10 : i32
    %scan3A_15 = arith.constant 0 : i32
    %scan3A_16 = arith.constant 0 : i32
    %scan3A_17 = arith.constant 10 : i32
    %scan3A_18 = arith.addi %scan3A_16, %scan3A_17 : i32
    %scan3A_19 = arith.constant 1 : i32
    scf.for %scan3A_95 = %scan3A_16 to %scan3A_18 step %scan3A_19  : i32 {
      %mul3A_96 = arith.constant 64 : i32
      %mul3A_97 = arith.muli %scan3A_95, %mul3A_96 : i32
      %add3A_98 = arith.addi %mul3A_0, %mul3A_97 : i32
      "tpu.region"() ({
        %run_scoped3A_107 = tpu.sem_alloc : memref<!tpu.dma_semaphore, #tpu.memory_space<semaphore_mem>>
        %dma_start3A_108 = arith.constant 0 : i32
        %dma_start3A_109 = tpu.memref_slice %arg3[%add3A_98, %dma_start3A_108] : memref<20480x16xf32, #tpu.memory_space<hbm>> -> memref<64x16xf32, #tpu.memory_space<hbm>>
        %dma_start3A_110 = arith.constant 0 : i32
        %dma_start3A_111 = tpu.memref_slice %arg3[%add3A_98, %dma_start3A_110] : memref<20480x16xf32, #tpu.memory_space<hbm>> -> memref<64x16xf32, #tpu.memory_space<hbm>>
        tpu.enqueue_dma source(%dma_start3A_111 : memref<64x16xf32, #tpu.memory_space<hbm>>) target(%arg16 : memref<64x16xf32, #tpu.memory_space<vmem>>) target_semaphore(%run_scoped3A_107 : memref<!tpu.dma_semaphore, #tpu.memory_space<semaphore_mem>>)
        %dma_wait3A_112 = arith.constant 0 : i32
        %dma_wait3A_113 = tpu.memref_slice %arg3[%add3A_98, %dma_wait3A_112] : memref<20480x16xf32, #tpu.memory_space<hbm>> -> memref<64x16xf32, #tpu.memory_space<hbm>>
        %dma_wait3A_114 = arith.constant 0 : i32
        %dma_wait3A_115 = tpu.memref_slice %arg3[%add3A_98, %dma_wait3A_114] : memref<20480x16xf32, #tpu.memory_space<hbm>> -> memref<64x16xf32, #tpu.memory_space<hbm>>
        tpu.wait_dma2 semaphore(%run_scoped3A_107 : memref<!tpu.dma_semaphore, #tpu.memory_space<semaphore_mem>>) src(%dma_wait3A_115 : memref<64x16xf32, #tpu.memory_space<hbm>>) dst(%arg16 : memref<64x16xf32, #tpu.memory_space<vmem>>)
        tpu.yield
      }) : () -> ()
      %add3A_99 = arith.constant 10240 : i32
      %add3A_100 = arith.addi %add3A_99, %add3A_98 : i32
      "tpu.region"() ({
        %run_scoped3A_107 = tpu.sem_alloc : memref<!tpu.dma_semaphore, #tpu.memory_space<semaphore_mem>>
        %dma_start3A_108 = arith.constant 0 : i32
        %dma_start3A_109 = tpu.memref_slice %arg3[%add3A_100, %dma_start3A_108] : memref<20480x16xf32, #tpu.memory_space<hbm>> -> memref<64x16xf32, #tpu.memory_space<hbm>>
        %dma_start3A_110 = arith.constant 0 : i32
        %dma_start3A_111 = tpu.memref_slice %arg3[%add3A_100, %dma_start3A_110] : memref<20480x16xf32, #tpu.memory_space<hbm>> -> memref<64x16xf32, #tpu.memory_space<hbm>>
        tpu.enqueue_dma source(%dma_start3A_111 : memref<64x16xf32, #tpu.memory_space<hbm>>) target(%arg17 : memref<64x16xf32, #tpu.memory_space<vmem>>) target_semaphore(%run_scoped3A_107 : memref<!tpu.dma_semaphore, #tpu.memory_space<semaphore_mem>>)
        %dma_wait3A_112 = arith.constant 0 : i32
        %dma_wait3A_113 = tpu.memref_slice %arg3[%add3A_100, %dma_wait3A_112] : memref<20480x16xf32, #tpu.memory_space<hbm>> -> memref<64x16xf32, #tpu.memory_space<hbm>>
        %dma_wait3A_114 = arith.constant 0 : i32
        %dma_wait3A_115 = tpu.memref_slice %arg3[%add3A_100, %dma_wait3A_114] : memref<20480x16xf32, #tpu.memory_space<hbm>> -> memref<64x16xf32, #tpu.memory_space<hbm>>
        tpu.wait_dma2 semaphore(%run_scoped3A_107 : memref<!tpu.dma_semaphore, #tpu.memory_space<semaphore_mem>>) src(%dma_wait3A_115 : memref<64x16xf32, #tpu.memory_space<hbm>>) dst(%arg17 : memref<64x16xf32, #tpu.memory_space<vmem>>)
        tpu.yield
      }) : () -> ()
      %scan3A_101 = arith.constant 0 : i32
      %scan3A_102 = arith.constant 0 : i32
      %scan3A_103 = arith.constant 64 : i32
      %scan3A_104 = arith.addi %scan3A_102, %scan3A_103 : i32
      %scan3A_105 = arith.constant 1 : i32
      scf.for %scan3A_107 = %scan3A_102 to %scan3A_104 step %scan3A_105  : i32 {
        %mul3A_108 = arith.constant 64 : i32
        %mul3A_109 = arith.muli %scan3A_95, %mul3A_108 : i32
        %add3A_110 = arith.addi %mul3A_109, %scan3A_107 : i32
        %get3A = arith.index_cast %scan3A_107 : i32 to index
        %get3A_111 = arith.constant 0 : index
        %get3A_112 = tpu.vector_load %arg16[%get3A, %get3A_111] {strides = array<i32>} : memref<64x16xf32, #tpu.memory_space<vmem>>, vector<1x16xf32>,
        %get3A_113 = vector.shape_cast %get3A_112 : vector<1x16xf32> to vector<16xf32>
        %get3A_114 = arith.index_cast %scan3A_107 : i32 to index
        %get3A_115 = arith.constant 0 : index
        %get3A_116 = tpu.vector_load %arg17[%get3A_114, %get3A_115] {strides = array<i32>} : memref<64x16xf32, #tpu.memory_space<vmem>>, vector<1x16xf32>,
        %get3A_117 = vector.shape_cast %get3A_116 : vector<1x16xf32> to vector<16xf32>
        %add3A_118 = arith.addf %get3A_113, %get3A_117 : vector<16xf32>
        %max3A = arith.constant 1.000000e+00 : f32
        %max3A_119 = vector.broadcast %max3A : f32 to vector<16xf32>
        %max3A_120 = arith.maximumf %add3A_118, %max3A_119 : vector<16xf32>
        %bitcast_convert_type3A = tpu.bitcast %max3A_120 : vector<16xf32> -> vector<16xi32>
        %shift_right_logical3A = arith.constant 1 : i32
        %shift_right_logical3A_121 = vector.broadcast %shift_right_logical3A : i32 to vector<16xi32>
        %shift_right_logical3A_122 = arith.shrui %bitcast_convert_type3A, %shift_right_logical3A_121 : vector<16xi32>
        %sub3A = arith.constant 1597463007 : i32
        %sub3A_123 = vector.broadcast %sub3A : i32 to vector<16xi32>
        %sub3A_124 = arith.subi %sub3A_123, %shift_right_logical3A_122 : vector<16xi32>
        %bitcast_convert_type3A_125 = tpu.bitcast %sub3A_124 : vector<16xi32> -> vector<16xf32>
        %mul3A_126 = arith.constant 5.000000e-01 : f32
        %mul3A_127 = vector.broadcast %mul3A_126 : f32 to vector<16xf32>
        %mul3A_128 = arith.mulf %mul3A_127, %max3A_120 : vector<16xf32>
        %mul3A_129 = arith.mulf %mul3A_128, %bitcast_convert_type3A_125 : vector<16xf32>
        %mul3A_130 = arith.mulf %mul3A_129, %bitcast_convert_type3A_125 : vector<16xf32>
        %sub3A_131 = arith.constant 1.500000e+00 : f32
        %sub3A_132 = vector.broadcast %sub3A_131 : f32 to vector<16xf32>
        %sub3A_133 = arith.subf %sub3A_132, %mul3A_130 : vector<16xf32>
        %mul3A_134 = arith.mulf %bitcast_convert_type3A_125, %sub3A_133 : vector<16xf32>
        %mul3A_135 = arith.constant 5.000000e-01 : f32
        %mul3A_136 = vector.broadcast %mul3A_135 : f32 to vector<16xf32>
        %mul3A_137 = arith.mulf %mul3A_136, %max3A_120 : vector<16xf32>
        %mul3A_138 = arith.mulf %mul3A_137, %mul3A_134 : vector<16xf32>
        %mul3A_139 = arith.mulf %mul3A_138, %mul3A_134 : vector<16xf32>
        %sub3A_140 = arith.constant 1.500000e+00 : f32
        %sub3A_141 = vector.broadcast %sub3A_140 : f32 to vector<16xf32>
        %sub3A_142 = arith.subf %sub3A_141, %mul3A_139 : vector<16xf32>
        %mul3A_143 = arith.mulf %mul3A_134, %sub3A_142 : vector<16xf32>
        %mul3A_144 = arith.constant 5.000000e-01 : f32
        %mul3A_145 = vector.broadcast %mul3A_144 : f32 to vector<16xf32>
        %mul3A_146 = arith.mulf %mul3A_145, %max3A_120 : vector<16xf32>
        %mul3A_147 = arith.mulf %mul3A_146, %mul3A_143 : vector<16xf32>
        %mul3A_148 = arith.mulf %mul3A_147, %mul3A_143 : vector<16xf32>
        %sub3A_149 = arith.constant 1.500000e+00 : f32
        %sub3A_150 = vector.broadcast %sub3A_149 : f32 to vector<16xf32>
        %sub3A_151 = arith.subf %sub3A_150, %mul3A_148 : vector<16xf32>
        %mul3A_152 = arith.mulf %mul3A_143, %sub3A_151 : vector<16xf32>
        %broadcast_in_dim3A_153 = arith.constant 0 : i32
        %broadcast_in_dim3A_154 = vector.broadcast %broadcast_in_dim3A_153 : i32 to vector<16xi32>
        %add3A_155 = arith.addi %add3A_98, %scan3A_107 : i32
        %add3A_156 = vector.broadcast %add3A_155 : i32 to vector<16xi32>
        %add3A_157 = arith.addi %broadcast_in_dim3A_154, %add3A_156 : vector<16xi32>
        %sub3A_158 = arith.constant 10000 : i32
        %sub3A_159 = vector.broadcast %sub3A_158 : i32 to vector<16xi32>
        %sub3A_160 = arith.subi %sub3A_159, %add3A_157 : vector<16xi32>
        %convert_element_type3A = arith.sitofp %sub3A_160 : vector<16xi32> to vector<16xf32>
        %jit3A = arith.constant 0.000000e+00 : f32
        %jit3A_161 = arith.constant 1.000000e+00 : f32
        %max3A_162 = vector.broadcast %jit3A : f32 to vector<16xf32>
        %max3A_163 = arith.maximumf %max3A_162, %convert_element_type3A : vector<16xf32>
        %min3A = vector.broadcast %jit3A_161 : f32 to vector<16xf32>
        %min3A_164 = arith.minimumf %min3A, %max3A_163 : vector<16xf32>
        %mul3A_165 = arith.mulf %mul3A_152, %min3A_164 : vector<16xf32>
        %div3A = arith.constant 0.899999976 : f32
        %div3A_166 = vector.broadcast %div3A : f32 to vector<16xf32>
        %div3A_167 = arith.divf %div3A_166, %max3A_120 : vector<16xf32>
        %mul3A_168 = arith.mulf %min3A_164, %div3A_167 : vector<16xf32>
        %swap3A = arith.index_cast %add3A_110 : i32 to index
        %swap3A_169 = arith.constant 0 : index
        %swap3A_170 = tpu.vector_load %arg12[%swap3A, %swap3A_169] {strides = array<i32>} : memref<640x16xf32, #tpu.memory_space<vmem>>, vector<1x16xf32>,
        %swap3A_171 = vector.shape_cast %swap3A_170 : vector<1x16xf32> to vector<16xf32>
        %swap3A_172 = vector.shape_cast %mul3A_168 : vector<16xf32> to vector<1x16xf32>
        tpu.vector_store %arg12[%swap3A, %swap3A_169], %swap3A_172 {strides = array<i32>} : memref<640x16xf32, #tpu.memory_space<vmem>>, vector<1x16xf32>,
        %get3A_173 = arith.index_cast %add3A_110 : i32 to index
        %get3A_174 = arith.constant 0 : index
        %get3A_175 = tpu.vector_load %arg11[%get3A_173, %get3A_174] {strides = array<i32>} : memref<640x24xf32, #tpu.memory_space<vmem>>, vector<1x16xf32>,
        %get3A_176 = vector.shape_cast %get3A_175 : vector<1x16xf32> to vector<16xf32>
        %get3A_177 = arith.index_cast %add3A_110 : i32 to index
        %get3A_178 = arith.constant 8 : index
        %get3A_179 = tpu.vector_load %arg11[%get3A_177, %get3A_178] {strides = array<i32>} : memref<640x24xf32, #tpu.memory_space<vmem>>, vector<1x16xf32>,
        %get3A_180 = vector.shape_cast %get3A_179 : vector<1x16xf32> to vector<16xf32>
        %mul3A_181 = arith.mulf %mul3A_165, %get3A_176 : vector<16xf32>
        %swap3A_182 = arith.index_cast %scan3A_107 : i32 to index
        %swap3A_183 = arith.constant 0 : index
        %swap3A_184 = tpu.vector_load %arg13[%swap3A_182, %swap3A_183] {strides = array<i32>} : memref<64x24xf32, #tpu.memory_space<vmem>>, vector<1x16xf32>,
        %swap3A_185 = vector.shape_cast %swap3A_184 : vector<1x16xf32> to vector<16xf32>
        %swap3A_186 = vector.shape_cast %mul3A_181 : vector<16xf32> to vector<1x16xf32>
        tpu.vector_store %arg13[%swap3A_182, %swap3A_183], %swap3A_186 {strides = array<i32>} : memref<64x24xf32, #tpu.memory_space<vmem>>, vector<1x16xf32>,
        %mul3A_187 = arith.mulf %mul3A_165, %get3A_180 : vector<16xf32>
        %swap3A_188 = arith.index_cast %scan3A_107 : i32 to index
        %swap3A_189 = arith.constant 8 : index
        %swap3A_190 = tpu.vector_load %arg13[%swap3A_188, %swap3A_189] {strides = array<i32>} : memref<64x24xf32, #tpu.memory_space<vmem>>, vector<1x16xf32>,
        %swap3A_191 = vector.shape_cast %swap3A_190 : vector<1x16xf32> to vector<16xf32>
        %swap3A_192 = vector.shape_cast %mul3A_187 : vector<16xf32> to vector<1x16xf32>
        tpu.vector_store %arg13[%swap3A_188, %swap3A_189], %swap3A_192 {strides = array<i32>} : memref<64x24xf32, #tpu.memory_space<vmem>>, vector<1x16xf32>,
        %mul3A_193 = arith.constant 1.000000e-01 : f32
        %mul3A_194 = vector.broadcast %mul3A_193 : f32 to vector<16xf32>
        %mul3A_195 = arith.mulf %mul3A_194, %mul3A_165 : vector<16xf32>
        %mul3A_196 = arith.mulf %mul3A_195, %get3A_176 : vector<16xf32>
        %swap3A_197 = arith.index_cast %add3A_110 : i32 to index
        %swap3A_198 = arith.constant 0 : index
        %swap3A_199 = tpu.vector_load %arg11[%swap3A_197, %swap3A_198] {strides = array<i32>} : memref<640x24xf32, #tpu.memory_space<vmem>>, vector<1x16xf32>,
        %swap3A_200 = vector.shape_cast %swap3A_199 : vector<1x16xf32> to vector<16xf32>
        %swap3A_201 = vector.shape_cast %mul3A_196 : vector<16xf32> to vector<1x16xf32>
        tpu.vector_store %arg11[%swap3A_197, %swap3A_198], %swap3A_201 {strides = array<i32>} : memref<640x24xf32, #tpu.memory_space<vmem>>, vector<1x16xf32>,
        %mul3A_202 = arith.constant 1.000000e-01 : f32
        %mul3A_203 = vector.broadcast %mul3A_202 : f32 to vector<16xf32>
        %mul3A_204 = arith.mulf %mul3A_203, %mul3A_165 : vector<16xf32>
        %mul3A_205 = arith.mulf %mul3A_204, %get3A_180 : vector<16xf32>
        %swap3A_206 = arith.index_cast %add3A_110 : i32 to index
        %swap3A_207 = arith.constant 8 : index
        %swap3A_208 = tpu.vector_load %arg11[%swap3A_206, %swap3A_207] {strides = array<i32>} : memref<640x24xf32, #tpu.memory_space<vmem>>, vector<1x16xf32>,
        %swap3A_209 = vector.shape_cast %swap3A_208 : vector<1x16xf32> to vector<16xf32>
        %swap3A_210 = vector.shape_cast %mul3A_205 : vector<16xf32> to vector<1x16xf32>
        tpu.vector_store %arg11[%swap3A_206, %swap3A_207], %swap3A_210 {strides = array<i32>} : memref<640x24xf32, #tpu.memory_space<vmem>>, vector<1x16xf32>,
      }
      %scan3A_106 = arith.constant 64 : i32
      "tpu.region"() ({
        %run_scoped3A_107 = tpu.sem_alloc : memref<!tpu.dma_semaphore, #tpu.memory_space<semaphore_mem>>
        %dma_start3A_108 = arith.constant 0 : i32
        %dma_start3A_109 = tpu.memref_slice %arg7[%add3A_98, %dma_start3A_108] : memref<10240x24xf32, #tpu.memory_space<vmem_shared>> -> memref<64x24xf32, #tpu.memory_space<vmem_shared>>
        %dma_start3A_110 = arith.constant 0 : i32
        %dma_start3A_111 = tpu.memref_slice %arg7[%add3A_98, %dma_start3A_110] : memref<10240x24xf32, #tpu.memory_space<vmem_shared>> -> memref<64x24xf32, #tpu.memory_space<vmem_shared>>
        tpu.enqueue_dma source(%arg13 : memref<64x24xf32, #tpu.memory_space<vmem>>) target(%dma_start3A_111 : memref<64x24xf32, #tpu.memory_space<vmem_shared>>) target_semaphore(%run_scoped3A_107 : memref<!tpu.dma_semaphore, #tpu.memory_space<semaphore_mem>>)
        %dma_wait3A_112 = arith.constant 0 : i32
        %dma_wait3A_113 = tpu.memref_slice %arg7[%add3A_98, %dma_wait3A_112] : memref<10240x24xf32, #tpu.memory_space<vmem_shared>> -> memref<64x24xf32, #tpu.memory_space<vmem_shared>>
        %dma_wait3A_114 = arith.constant 0 : i32
        %dma_wait3A_115 = tpu.memref_slice %arg7[%add3A_98, %dma_wait3A_114] : memref<10240x24xf32, #tpu.memory_space<vmem_shared>> -> memref<64x24xf32, #tpu.memory_space<vmem_shared>>
        tpu.wait_dma2 semaphore(%run_scoped3A_107 : memref<!tpu.dma_semaphore, #tpu.memory_space<semaphore_mem>>) src(%arg13 : memref<64x24xf32, #tpu.memory_space<vmem>>) dst(%dma_wait3A_115 : memref<64x24xf32, #tpu.memory_space<vmem_shared>>)
        tpu.yield
      }) : () -> ()
    }
    %scan3A_20 = arith.constant 10 : i32
    %barrier3A = arith.constant 0 : index
    tpu.barrier barrier_id(%barrier3A)
    %scan3A_21 = arith.constant 0 : i32
    %scan3A_22 = arith.constant 0 : i32
    %scan3A_23 = arith.constant 9 : i32
    %scan3A_24 = arith.addi %scan3A_22, %scan3A_23 : i32
    %scan3A_25 = arith.constant 1 : i32
    scf.for %scan3A_95 = %scan3A_22 to %scan3A_24 step %scan3A_25  : i32 {
      %dma_start3A_96 = arith.constant 0 : i32
      %dma_start3A_97 = arith.constant 0 : i32
      %dma_start3A_98 = arith.constant 0 : i32
      %dma_start3A_99 = arith.constant 0 : i32
      %dma_start3A_100 = tpu.memref_slice %arg14[%dma_start3A_97, %dma_start3A_98, %dma_start3A_99] : memref<2x128x24xf32, #tpu.memory_space<vmem>> -> memref<1x128x24xf32, #tpu.memory_space<vmem>>
      %dma_start3A_101 = tpu.memref_squeeze %dma_start3A_100 : memref<1x128x24xf32, #tpu.memory_space<vmem>> -> memref<128x24xf32, #tpu.memory_space<vmem>>
      %dma_start3A_102 = arith.constant 0 : i32
      %dma_start3A_103 = tpu.memref_slice %arg9[%dma_start3A_96, %dma_start3A_102] : memref<160x128xi32, #tpu.memory_space<vmem>> -> memref<1x128xi32, #tpu.memory_space<vmem>>
      %dma_start3A_104 = tpu.memref_squeeze %dma_start3A_103 : memref<1x128xi32, #tpu.memory_space<vmem>> -> memref<128xi32, #tpu.memory_space<vmem>>
      %dma_start3A_105 = arith.constant 0 : i32
      %dma_start3A_106 = arith.constant 0 : i32
      %dma_start3A_107 = tpu.memref_slice %arg7[%dma_start3A_105, %dma_start3A_106] : memref<10240x24xf32, #tpu.memory_space<vmem_shared>> -> memref<10240x24xf32, #tpu.memory_space<vmem_shared>>
      tpu.enqueue_indirect_dma source(%dma_start3A_107 : memref<10240x24xf32, #tpu.memory_space<vmem_shared>>) target(%dma_start3A_101 : memref<128x24xf32, #tpu.memory_space<vmem>>) offsets(%dma_start3A_104 : memref<128xi32, #tpu.memory_space<vmem>>) semaphore(%arg18 : memref<!tpu.dma_semaphore, #tpu.memory_space<semaphore_mem>>)
      %scan3A_108 = arith.constant 0 : i32
      %scan3A_109 = arith.constant 0 : i32
      %scan3A_110 = arith.constant 79 : i32
      %scan3A_111 = arith.addi %scan3A_109, %scan3A_110 : i32
      %scan3A_112 = arith.constant 1 : i32
      scf.for %scan3A_168 = %scan3A_109 to %scan3A_111 step %scan3A_112  : i32 {
        %mul3A_169 = arith.constant 2 : i32
        %mul3A_170 = arith.muli %mul3A_169, %scan3A_168 : i32
        %dma_wait3A_171 = arith.constant 0 : i32
        %dma_wait3A_172 = arith.constant 0 : i32
        %dma_wait3A_173 = arith.constant 0 : i32
        %dma_wait3A_174 = tpu.memref_slice %arg14[%dma_wait3A_171, %dma_wait3A_172, %dma_wait3A_173] : memref<2x128x24xf32, #tpu.memory_space<vmem>> -> memref<1x128x24xf32, #tpu.memory_space<vmem>>
        %dma_wait3A_175 = tpu.memref_squeeze %dma_wait3A_174 : memref<1x128x24xf32, #tpu.memory_space<vmem>> -> memref<128x24xf32, #tpu.memory_space<vmem>>
        %dma_wait3A_176 = arith.constant 0 : i32
        %dma_wait3A_177 = arith.constant 0 : i32
        %dma_wait3A_178 = tpu.memref_slice %arg2[%dma_wait3A_176, %dma_wait3A_177] : memref<20480x24xf32, #tpu.memory_space<hbm>> -> memref<128x24xf32, #tpu.memory_space<hbm>>
        %dma_wait3A_179 = arith.constant 0 : i32
        %dma_wait3A_180 = arith.constant 0 : i32
        %dma_wait3A_181 = tpu.memref_slice %arg14[%dma_wait3A_171, %dma_wait3A_179, %dma_wait3A_180] : memref<2x128x24xf32, #tpu.memory_space<vmem>> -> memref<1x128x24xf32, #tpu.memory_space<vmem>>
        %dma_wait3A_182 = tpu.memref_squeeze %dma_wait3A_181 : memref<1x128x24xf32, #tpu.memory_space<vmem>> -> memref<128x24xf32, #tpu.memory_space<vmem>>
        %dma_wait3A_183 = arith.constant 0 : i32
        %dma_wait3A_184 = arith.constant 0 : i32
        %dma_wait3A_185 = tpu.memref_slice %arg2[%dma_wait3A_183, %dma_wait3A_184] : memref<20480x24xf32, #tpu.memory_space<hbm>> -> memref<128x24xf32, #tpu.memory_space<hbm>>
        tpu.wait_dma2 semaphore(%arg18 : memref<!tpu.dma_semaphore, #tpu.memory_space<semaphore_mem>>) src(%dma_wait3A_185 : memref<128x24xf32, #tpu.memory_space<hbm>>) dst(%dma_wait3A_182 : memref<128x24xf32, #tpu.memory_space<vmem>>)
        %add3A_186 = arith.constant 1 : i32
        %add3A_187 = arith.addi %mul3A_170, %add3A_186 : i32
        %dma_start3A_188 = arith.constant 1 : i32
        %dma_start3A_189 = arith.constant 0 : i32
        %dma_start3A_190 = arith.constant 0 : i32
        %dma_start3A_191 = tpu.memref_slice %arg14[%dma_start3A_188, %dma_start3A_189, %dma_start3A_190] : memref<2x128x24xf32, #tpu.memory_space<vmem>> -> memref<1x128x24xf32, #tpu.memory_space<vmem>>
        %dma_start3A_192 = tpu.memref_squeeze %dma_start3A_191 : memref<1x128x24xf32, #tpu.memory_space<vmem>> -> memref<128x24xf32, #tpu.memory_space<vmem>>
        %dma_start3A_193 = arith.constant 0 : i32
        %dma_start3A_194 = tpu.memref_slice %arg9[%add3A_187, %dma_start3A_193] : memref<160x128xi32, #tpu.memory_space<vmem>> -> memref<1x128xi32, #tpu.memory_space<vmem>>
        %dma_start3A_195 = tpu.memref_squeeze %dma_start3A_194 : memref<1x128xi32, #tpu.memory_space<vmem>> -> memref<128xi32, #tpu.memory_space<vmem>>
        %dma_start3A_196 = arith.constant 0 : i32
        %dma_start3A_197 = arith.constant 0 : i32
        %dma_start3A_198 = tpu.memref_slice %arg7[%dma_start3A_196, %dma_start3A_197] : memref<10240x24xf32, #tpu.memory_space<vmem_shared>> -> memref<10240x24xf32, #tpu.memory_space<vmem_shared>>
        tpu.enqueue_indirect_dma source(%dma_start3A_198 : memref<10240x24xf32, #tpu.memory_space<vmem_shared>>) target(%dma_start3A_192 : memref<128x24xf32, #tpu.memory_space<vmem>>) offsets(%dma_start3A_195 : memref<128xi32, #tpu.memory_space<vmem>>) semaphore(%arg18 : memref<!tpu.dma_semaphore, #tpu.memory_space<semaphore_mem>>)
        %run_scoped3A_199 = arith.constant 0 : i32
        "tpu.region"() ({
          %run_scoped3A_231 = tpu.sem_alloc : memref<!tpu.dma_semaphore, #tpu.memory_space<semaphore_mem>>
          %dma_start3A_232 = arith.constant 0 : i32
          %dma_start3A_233 = arith.constant 0 : i32
          %dma_start3A_234 = tpu.memref_slice %arg14[%run_scoped3A_199, %dma_start3A_232, %dma_start3A_233] : memref<2x128x24xf32, #tpu.memory_space<vmem>> -> memref<1x128x24xf32, #tpu.memory_space<vmem>>
          %dma_start3A_235 = tpu.memref_squeeze %dma_start3A_234 : memref<1x128x24xf32, #tpu.memory_space<vmem>> -> memref<128x24xf32, #tpu.memory_space<vmem>>
          %dma_start3A_236 = arith.constant 0 : i32
          %dma_start3A_237 = tpu.memref_slice %arg10[%mul3A_170, %dma_start3A_236] : memref<160x128xi32, #tpu.memory_space<vmem>> -> memref<1x128xi32, #tpu.memory_space<vmem>>
          %dma_start3A_238 = tpu.memref_squeeze %dma_start3A_237 : memref<1x128xi32, #tpu.memory_space<vmem>> -> memref<128xi32, #tpu.memory_space<vmem>>
          %dma_start3A_239 = arith.constant 0 : i32
          %dma_start3A_240 = arith.constant 0 : i32
          %dma_start3A_241 = tpu.memref_slice %arg8[%dma_start3A_239, %dma_start3A_240] : memref<10240x24xf32, #tpu.memory_space<vmem_shared>> -> memref<10240x24xf32, #tpu.memory_space<vmem_shared>>
          tpu.enqueue_indirect_dma source(%dma_start3A_235 : memref<128x24xf32, #tpu.memory_space<vmem>>) target(%dma_start3A_241 : memref<10240x24xf32, #tpu.memory_space<vmem_shared>>) offsets(%dma_start3A_238 : memref<128xi32, #tpu.memory_space<vmem>>) semaphore(%run_scoped3A_231 : memref<!tpu.dma_semaphore, #tpu.memory_space<semaphore_mem>>) {add = true}
          %dma_wait3A_242 = arith.constant 0 : i32
          %dma_wait3A_243 = arith.constant 0 : i32
          %dma_wait3A_244 = tpu.memref_slice %arg14[%run_scoped3A_199, %dma_wait3A_242, %dma_wait3A_243] : memref<2x128x24xf32, #tpu.memory_space<vmem>> -> memref<1x128x24xf32, #tpu.memory_space<vmem>>
          %dma_wait3A_245 = tpu.memref_squeeze %dma_wait3A_244 : memref<1x128x24xf32, #tpu.memory_space<vmem>> -> memref<128x24xf32, #tpu.memory_space<vmem>>
          %dma_wait3A_246 = arith.constant 0 : i32
          %dma_wait3A_247 = tpu.memref_slice %arg10[%mul3A_170, %dma_wait3A_246] : memref<160x128xi32, #tpu.memory_space<vmem>> -> memref<1x128xi32, #tpu.memory_space<vmem>>
          %dma_wait3A_248 = tpu.memref_squeeze %dma_wait3A_247 : memref<1x128xi32, #tpu.memory_space<vmem>> -> memref<128xi32, #tpu.memory_space<vmem>>
          %dma_wait3A_249 = arith.constant 0 : i32
          %dma_wait3A_250 = arith.constant 0 : i32
          %dma_wait3A_251 = tpu.memref_slice %arg8[%dma_wait3A_249, %dma_wait3A_250] : memref<10240x24xf32, #tpu.memory_space<vmem_shared>> -> memref<10240x24xf32, #tpu.memory_space<vmem_shared>>
          tpu.wait_indirect_dma semaphore(%run_scoped3A_231 : memref<!tpu.dma_semaphore, #tpu.memory_space<semaphore_mem>>) src(%dma_wait3A_245 : memref<128x24xf32, #tpu.memory_space<vmem>>) dst(%dma_wait3A_251 : memref<10240x24xf32, #tpu.memory_space<vmem_shared>>)
          tpu.yield
        }) : () -> ()
        %dma_wait3A_200 = arith.constant 1 : i32
        %dma_wait3A_201 = arith.constant 0 : i32
        %dma_wait3A_202 = arith.constant 0 : i32
        %dma_wait3A_203 = tpu.memref_slice %arg14[%dma_wait3A_200, %dma_wait3A_201, %dma_wait3A_202] : memref<2x128x24xf32, #tpu.memory_space<vmem>> -> memref<1x128x24xf32, #tpu.memory_space<vmem>>
        %dma_wait3A_204 = tpu.memref_squeeze %dma_wait3A_203 : memref<1x128x24xf32, #tpu.memory_space<vmem>> -> memref<128x24xf32, #tpu.memory_space<vmem>>
        %dma_wait3A_205 = arith.constant 0 : i32
        %dma_wait3A_206 = arith.constant 0 : i32
        %dma_wait3A_207 = tpu.memref_slice %arg2[%dma_wait3A_205, %dma_wait3A_206] : memref<20480x24xf32, #tpu.memory_space<hbm>> -> memref<128x24xf32, #tpu.memory_space<hbm>>
        %dma_wait3A_208 = arith.constant 0 : i32
        %dma_wait3A_209 = arith.constant 0 : i32
        %dma_wait3A_210 = tpu.memref_slice %arg14[%dma_wait3A_200, %dma_wait3A_208, %dma_wait3A_209] : memref<2x128x24xf32, #tpu.memory_space<vmem>> -> memref<1x128x24xf32, #tpu.memory_space<vmem>>
        %dma_wait3A_211 = tpu.memref_squeeze %dma_wait3A_210 : memref<1x128x24xf32, #tpu.memory_space<vmem>> -> memref<128x24xf32, #tpu.memory_space<vmem>>
        %dma_wait3A_212 = arith.constant 0 : i32
        %dma_wait3A_213 = arith.constant 0 : i32
        %dma_wait3A_214 = tpu.memref_slice %arg2[%dma_wait3A_212, %dma_wait3A_213] : memref<20480x24xf32, #tpu.memory_space<hbm>> -> memref<128x24xf32, #tpu.memory_space<hbm>>
        tpu.wait_dma2 semaphore(%arg18 : memref<!tpu.dma_semaphore, #tpu.memory_space<semaphore_mem>>) src(%dma_wait3A_214 : memref<128x24xf32, #tpu.memory_space<hbm>>) dst(%dma_wait3A_211 : memref<128x24xf32, #tpu.memory_space<vmem>>)
        %add3A_215 = arith.constant 2 : i32
        %add3A_216 = arith.addi %mul3A_170, %add3A_215 : i32
        %dma_start3A_217 = arith.constant 0 : i32
        %dma_start3A_218 = arith.constant 0 : i32
        %dma_start3A_219 = arith.constant 0 : i32
        %dma_start3A_220 = tpu.memref_slice %arg14[%dma_start3A_217, %dma_start3A_218, %dma_start3A_219] : memref<2x128x24xf32, #tpu.memory_space<vmem>> -> memref<1x128x24xf32, #tpu.memory_space<vmem>>
        %dma_start3A_221 = tpu.memref_squeeze %dma_start3A_220 : memref<1x128x24xf32, #tpu.memory_space<vmem>> -> memref<128x24xf32, #tpu.memory_space<vmem>>
        %dma_start3A_222 = arith.constant 0 : i32
        %dma_start3A_223 = tpu.memref_slice %arg9[%add3A_216, %dma_start3A_222] : memref<160x128xi32, #tpu.memory_space<vmem>> -> memref<1x128xi32, #tpu.memory_space<vmem>>
        %dma_start3A_224 = tpu.memref_squeeze %dma_start3A_223 : memref<1x128xi32, #tpu.memory_space<vmem>> -> memref<128xi32, #tpu.memory_space<vmem>>
        %dma_start3A_225 = arith.constant 0 : i32
        %dma_start3A_226 = arith.constant 0 : i32
        %dma_start3A_227 = tpu.memref_slice %arg7[%dma_start3A_225, %dma_start3A_226] : memref<10240x24xf32, #tpu.memory_space<vmem_shared>> -> memref<10240x24xf32, #tpu.memory_space<vmem_shared>>
        tpu.enqueue_indirect_dma source(%dma_start3A_227 : memref<10240x24xf32, #tpu.memory_space<vmem_shared>>) target(%dma_start3A_221 : memref<128x24xf32, #tpu.memory_space<vmem>>) offsets(%dma_start3A_224 : memref<128xi32, #tpu.memory_space<vmem>>) semaphore(%arg18 : memref<!tpu.dma_semaphore, #tpu.memory_space<semaphore_mem>>)
        %add3A_228 = arith.constant 1 : i32
        %add3A_229 = arith.addi %mul3A_170, %add3A_228 : i32
        %run_scoped3A_230 = arith.constant 1 : i32
        "tpu.region"() ({
          %run_scoped3A_231 = tpu.sem_alloc : memref<!tpu.dma_semaphore, #tpu.memory_space<semaphore_mem>>
          %dma_start3A_232 = arith.constant 0 : i32
          %dma_start3A_233 = arith.constant 0 : i32
          %dma_start3A_234 = tpu.memref_slice %arg14[%run_scoped3A_230, %dma_start3A_232, %dma_start3A_233] : memref<2x128x24xf32, #tpu.memory_space<vmem>> -> memref<1x128x24xf32, #tpu.memory_space<vmem>>
          %dma_start3A_235 = tpu.memref_squeeze %dma_start3A_234 : memref<1x128x24xf32, #tpu.memory_space<vmem>> -> memref<128x24xf32, #tpu.memory_space<vmem>>
          %dma_start3A_236 = arith.constant 0 : i32
          %dma_start3A_237 = tpu.memref_slice %arg10[%add3A_229, %dma_start3A_236] : memref<160x128xi32, #tpu.memory_space<vmem>> -> memref<1x128xi32, #tpu.memory_space<vmem>>
          %dma_start3A_238 = tpu.memref_squeeze %dma_start3A_237 : memref<1x128xi32, #tpu.memory_space<vmem>> -> memref<128xi32, #tpu.memory_space<vmem>>
          %dma_start3A_239 = arith.constant 0 : i32
          %dma_start3A_240 = arith.constant 0 : i32
          %dma_start3A_241 = tpu.memref_slice %arg8[%dma_start3A_239, %dma_start3A_240] : memref<10240x24xf32, #tpu.memory_space<vmem_shared>> -> memref<10240x24xf32, #tpu.memory_space<vmem_shared>>
          tpu.enqueue_indirect_dma source(%dma_start3A_235 : memref<128x24xf32, #tpu.memory_space<vmem>>) target(%dma_start3A_241 : memref<10240x24xf32, #tpu.memory_space<vmem_shared>>) offsets(%dma_start3A_238 : memref<128xi32, #tpu.memory_space<vmem>>) semaphore(%run_scoped3A_231 : memref<!tpu.dma_semaphore, #tpu.memory_space<semaphore_mem>>) {add = true}
          %dma_wait3A_242 = arith.constant 0 : i32
          %dma_wait3A_243 = arith.constant 0 : i32
          %dma_wait3A_244 = tpu.memref_slice %arg14[%run_scoped3A_230, %dma_wait3A_242, %dma_wait3A_243] : memref<2x128x24xf32, #tpu.memory_space<vmem>> -> memref<1x128x24xf32, #tpu.memory_space<vmem>>
          %dma_wait3A_245 = tpu.memref_squeeze %dma_wait3A_244 : memref<1x128x24xf32, #tpu.memory_space<vmem>> -> memref<128x24xf32, #tpu.memory_space<vmem>>
          %dma_wait3A_246 = arith.constant 0 : i32
          %dma_wait3A_247 = tpu.memref_slice %arg10[%add3A_229, %dma_wait3A_246] : memref<160x128xi32, #tpu.memory_space<vmem>> -> memref<1x128xi32, #tpu.memory_space<vmem>>
          %dma_wait3A_248 = tpu.memref_squeeze %dma_wait3A_247 : memref<1x128xi32, #tpu.memory_space<vmem>> -> memref<128xi32, #tpu.memory_space<vmem>>
          %dma_wait3A_249 = arith.constant 0 : i32
          %dma_wait3A_250 = arith.constant 0 : i32
          %dma_wait3A_251 = tpu.memref_slice %arg8[%dma_wait3A_249, %dma_wait3A_250] : memref<10240x24xf32, #tpu.memory_space<vmem_shared>> -> memref<10240x24xf32, #tpu.memory_space<vmem_shared>>
          tpu.wait_indirect_dma semaphore(%run_scoped3A_231 : memref<!tpu.dma_semaphore, #tpu.memory_space<semaphore_mem>>) src(%dma_wait3A_245 : memref<128x24xf32, #tpu.memory_space<vmem>>) dst(%dma_wait3A_251 : memref<10240x24xf32, #tpu.memory_space<vmem_shared>>)
          tpu.yield
        }) : () -> ()
      }
      %scan3A_113 = arith.constant 79 : i32
      %dma_wait3A_114 = arith.constant 0 : i32
      %dma_wait3A_115 = arith.constant 0 : i32
      %dma_wait3A_116 = arith.constant 0 : i32
      %dma_wait3A_117 = tpu.memref_slice %arg14[%dma_wait3A_114, %dma_wait3A_115, %dma_wait3A_116] : memref<2x128x24xf32, #tpu.memory_space<vmem>> -> memref<1x128x24xf32, #tpu.memory_space<vmem>>
      %dma_wait3A_118 = tpu.memref_squeeze %dma_wait3A_117 : memref<1x128x24xf32, #tpu.memory_space<vmem>> -> memref<128x24xf32, #tpu.memory_space<vmem>>
      %dma_wait3A_119 = arith.constant 0 : i32
      %dma_wait3A_120 = arith.constant 0 : i32
      %dma_wait3A_121 = tpu.memref_slice %arg2[%dma_wait3A_119, %dma_wait3A_120] : memref<20480x24xf32, #tpu.memory_space<hbm>> -> memref<128x24xf32, #tpu.memory_space<hbm>>
      %dma_wait3A_122 = arith.constant 0 : i32
      %dma_wait3A_123 = arith.constant 0 : i32
      %dma_wait3A_124 = tpu.memref_slice %arg14[%dma_wait3A_114, %dma_wait3A_122, %dma_wait3A_123] : memref<2x128x24xf32, #tpu.memory_space<vmem>> -> memref<1x128x24xf32, #tpu.memory_space<vmem>>
      %dma_wait3A_125 = tpu.memref_squeeze %dma_wait3A_124 : memref<1x128x24xf32, #tpu.memory_space<vmem>> -> memref<128x24xf32, #tpu.memory_space<vmem>>
      %dma_wait3A_126 = arith.constant 0 : i32
      %dma_wait3A_127 = arith.constant 0 : i32
      %dma_wait3A_128 = tpu.memref_slice %arg2[%dma_wait3A_126, %dma_wait3A_127] : memref<20480x24xf32, #tpu.memory_space<hbm>> -> memref<128x24xf32, #tpu.memory_space<hbm>>
      tpu.wait_dma2 semaphore(%arg18 : memref<!tpu.dma_semaphore, #tpu.memory_space<semaphore_mem>>) src(%dma_wait3A_128 : memref<128x24xf32, #tpu.memory_space<hbm>>) dst(%dma_wait3A_125 : memref<128x24xf32, #tpu.memory_space<vmem>>)
      %dma_start3A_129 = arith.constant 159 : i32
      %dma_start3A_130 = arith.constant 1 : i32
      %dma_start3A_131 = arith.constant 0 : i32
      %dma_start3A_132 = arith.constant 0 : i32
      %dma_start3A_133 = tpu.memref_slice %arg14[%dma_start3A_130, %dma_start3A_131, %dma_start3A_132] : memref<2x128x24xf32, #tpu.memory_space<vmem>> -> memref<1x128x24xf32, #tpu.memory_space<vmem>>
      %dma_start3A_134 = tpu.memref_squeeze %dma_start3A_133 : memref<1x128x24xf32, #tpu.memory_space<vmem>> -> memref<128x24xf32, #tpu.memory_space<vmem>>
      %dma_start3A_135 = arith.constant 0 : i32
      %dma_start3A_136 = tpu.memref_slice %arg9[%dma_start3A_129, %dma_start3A_135] : memref<160x128xi32, #tpu.memory_space<vmem>> -> memref<1x128xi32, #tpu.memory_space<vmem>>
      %dma_start3A_137 = tpu.memref_squeeze %dma_start3A_136 : memref<1x128xi32, #tpu.memory_space<vmem>> -> memref<128xi32, #tpu.memory_space<vmem>>
      %dma_start3A_138 = arith.constant 0 : i32
      %dma_start3A_139 = arith.constant 0 : i32
      %dma_start3A_140 = tpu.memref_slice %arg7[%dma_start3A_138, %dma_start3A_139] : memref<10240x24xf32, #tpu.memory_space<vmem_shared>> -> memref<10240x24xf32, #tpu.memory_space<vmem_shared>>
      tpu.enqueue_indirect_dma source(%dma_start3A_140 : memref<10240x24xf32, #tpu.memory_space<vmem_shared>>) target(%dma_start3A_134 : memref<128x24xf32, #tpu.memory_space<vmem>>) offsets(%dma_start3A_137 : memref<128xi32, #tpu.memory_space<vmem>>) semaphore(%arg18 : memref<!tpu.dma_semaphore, #tpu.memory_space<semaphore_mem>>)
      %run_scoped3A_141 = arith.constant 0 : i32
      %run_scoped3A_142 = arith.constant 158 : i32
      "tpu.region"() ({
        %run_scoped3A_168 = tpu.sem_alloc : memref<!tpu.dma_semaphore, #tpu.memory_space<semaphore_mem>>
        %dma_start3A_169 = arith.constant 0 : i32
        %dma_start3A_170 = arith.constant 0 : i32
        %dma_start3A_171 = tpu.memref_slice %arg14[%run_scoped3A_141, %dma_start3A_169, %dma_start3A_170] : memref<2x128x24xf32, #tpu.memory_space<vmem>> -> memref<1x128x24xf32, #tpu.memory_space<vmem>>
        %dma_start3A_172 = tpu.memref_squeeze %dma_start3A_171 : memref<1x128x24xf32, #tpu.memory_space<vmem>> -> memref<128x24xf32, #tpu.memory_space<vmem>>
        %dma_start3A_173 = arith.constant 0 : i32
        %dma_start3A_174 = tpu.memref_slice %arg10[%run_scoped3A_142, %dma_start3A_173] : memref<160x128xi32, #tpu.memory_space<vmem>> -> memref<1x128xi32, #tpu.memory_space<vmem>>
        %dma_start3A_175 = tpu.memref_squeeze %dma_start3A_174 : memref<1x128xi32, #tpu.memory_space<vmem>> -> memref<128xi32, #tpu.memory_space<vmem>>
        %dma_start3A_176 = arith.constant 0 : i32
        %dma_start3A_177 = arith.constant 0 : i32
        %dma_start3A_178 = tpu.memref_slice %arg8[%dma_start3A_176, %dma_start3A_177] : memref<10240x24xf32, #tpu.memory_space<vmem_shared>> -> memref<10240x24xf32, #tpu.memory_space<vmem_shared>>
        tpu.enqueue_indirect_dma source(%dma_start3A_172 : memref<128x24xf32, #tpu.memory_space<vmem>>) target(%dma_start3A_178 : memref<10240x24xf32, #tpu.memory_space<vmem_shared>>) offsets(%dma_start3A_175 : memref<128xi32, #tpu.memory_space<vmem>>) semaphore(%run_scoped3A_168 : memref<!tpu.dma_semaphore, #tpu.memory_space<semaphore_mem>>) {add = true}
        %dma_wait3A_179 = arith.constant 0 : i32
        %dma_wait3A_180 = arith.constant 0 : i32
        %dma_wait3A_181 = tpu.memref_slice %arg14[%run_scoped3A_141, %dma_wait3A_179, %dma_wait3A_180] : memref<2x128x24xf32, #tpu.memory_space<vmem>> -> memref<1x128x24xf32, #tpu.memory_space<vmem>>
        %dma_wait3A_182 = tpu.memref_squeeze %dma_wait3A_181 : memref<1x128x24xf32, #tpu.memory_space<vmem>> -> memref<128x24xf32, #tpu.memory_space<vmem>>
        %dma_wait3A_183 = arith.constant 0 : i32
        %dma_wait3A_184 = tpu.memref_slice %arg10[%run_scoped3A_142, %dma_wait3A_183] : memref<160x128xi32, #tpu.memory_space<vmem>> -> memref<1x128xi32, #tpu.memory_space<vmem>>
        %dma_wait3A_185 = tpu.memref_squeeze %dma_wait3A_184 : memref<1x128xi32, #tpu.memory_space<vmem>> -> memref<128xi32, #tpu.memory_space<vmem>>
        %dma_wait3A_186 = arith.constant 0 : i32
        %dma_wait3A_187 = arith.constant 0 : i32
        %dma_wait3A_188 = tpu.memref_slice %arg8[%dma_wait3A_186, %dma_wait3A_187] : memref<10240x24xf32, #tpu.memory_space<vmem_shared>> -> memref<10240x24xf32, #tpu.memory_space<vmem_shared>>
        tpu.wait_indirect_dma semaphore(%run_scoped3A_168 : memref<!tpu.dma_semaphore, #tpu.memory_space<semaphore_mem>>) src(%dma_wait3A_182 : memref<128x24xf32, #tpu.memory_space<vmem>>) dst(%dma_wait3A_188 : memref<10240x24xf32, #tpu.memory_space<vmem_shared>>)
        tpu.yield
      }) : () -> ()
      %dma_wait3A_143 = arith.constant 1 : i32
      %dma_wait3A_144 = arith.constant 0 : i32
      %dma_wait3A_145 = arith.constant 0 : i32
      %dma_wait3A_146 = tpu.memref_slice %arg14[%dma_wait3A_143, %dma_wait3A_144, %dma_wait3A_145] : memref<2x128x24xf32, #tpu.memory_space<vmem>> -> memref<1x128x24xf32, #tpu.memory_space<vmem>>
      %dma_wait3A_147 = tpu.memref_squeeze %dma_wait3A_146 : memref<1x128x24xf32, #tpu.memory_space<vmem>> -> memref<128x24xf32, #tpu.memory_space<vmem>>
      %dma_wait3A_148 = arith.constant 0 : i32
      %dma_wait3A_149 = arith.constant 0 : i32
      %dma_wait3A_150 = tpu.memref_slice %arg2[%dma_wait3A_148, %dma_wait3A_149] : memref<20480x24xf32, #tpu.memory_space<hbm>> -> memref<128x24xf32, #tpu.memory_space<hbm>>
      %dma_wait3A_151 = arith.constant 0 : i32
      %dma_wait3A_152 = arith.constant 0 : i32
      %dma_wait3A_153 = tpu.memref_slice %arg14[%dma_wait3A_143, %dma_wait3A_151, %dma_wait3A_152] : memref<2x128x24xf32, #tpu.memory_space<vmem>> -> memref<1x128x24xf32, #tpu.memory_space<vmem>>
      %dma_wait3A_154 = tpu.memref_squeeze %dma_wait3A_153 : memref<1x128x24xf32, #tpu.memory_space<vmem>> -> memref<128x24xf32, #tpu.memory_space<vmem>>
      %dma_wait3A_155 = arith.constant 0 : i32
      %dma_wait3A_156 = arith.constant 0 : i32
      %dma_wait3A_157 = tpu.memref_slice %arg2[%dma_wait3A_155, %dma_wait3A_156] : memref<20480x24xf32, #tpu.memory_space<hbm>> -> memref<128x24xf32, #tpu.memory_space<hbm>>
      tpu.wait_dma2 semaphore(%arg18 : memref<!tpu.dma_semaphore, #tpu.memory_space<semaphore_mem>>) src(%dma_wait3A_157 : memref<128x24xf32, #tpu.memory_space<hbm>>) dst(%dma_wait3A_154 : memref<128x24xf32, #tpu.memory_space<vmem>>)
      %run_scoped3A_158 = arith.constant 1 : i32
      %run_scoped3A_159 = arith.constant 159 : i32
      "tpu.region"() ({
        %run_scoped3A_168 = tpu.sem_alloc : memref<!tpu.dma_semaphore, #tpu.memory_space<semaphore_mem>>
        %dma_start3A_169 = arith.constant 0 : i32
        %dma_start3A_170 = arith.constant 0 : i32
        %dma_start3A_171 = tpu.memref_slice %arg14[%run_scoped3A_158, %dma_start3A_169, %dma_start3A_170] : memref<2x128x24xf32, #tpu.memory_space<vmem>> -> memref<1x128x24xf32, #tpu.memory_space<vmem>>
        %dma_start3A_172 = tpu.memref_squeeze %dma_start3A_171 : memref<1x128x24xf32, #tpu.memory_space<vmem>> -> memref<128x24xf32, #tpu.memory_space<vmem>>
        %dma_start3A_173 = arith.constant 0 : i32
        %dma_start3A_174 = tpu.memref_slice %arg10[%run_scoped3A_159, %dma_start3A_173] : memref<160x128xi32, #tpu.memory_space<vmem>> -> memref<1x128xi32, #tpu.memory_space<vmem>>
        %dma_start3A_175 = tpu.memref_squeeze %dma_start3A_174 : memref<1x128xi32, #tpu.memory_space<vmem>> -> memref<128xi32, #tpu.memory_space<vmem>>
        %dma_start3A_176 = arith.constant 0 : i32
        %dma_start3A_177 = arith.constant 0 : i32
        %dma_start3A_178 = tpu.memref_slice %arg8[%dma_start3A_176, %dma_start3A_177] : memref<10240x24xf32, #tpu.memory_space<vmem_shared>> -> memref<10240x24xf32, #tpu.memory_space<vmem_shared>>
        tpu.enqueue_indirect_dma source(%dma_start3A_172 : memref<128x24xf32, #tpu.memory_space<vmem>>) target(%dma_start3A_178 : memref<10240x24xf32, #tpu.memory_space<vmem_shared>>) offsets(%dma_start3A_175 : memref<128xi32, #tpu.memory_space<vmem>>) semaphore(%run_scoped3A_168 : memref<!tpu.dma_semaphore, #tpu.memory_space<semaphore_mem>>) {add = true}
        %dma_wait3A_179 = arith.constant 0 : i32
        %dma_wait3A_180 = arith.constant 0 : i32
        %dma_wait3A_181 = tpu.memref_slice %arg14[%run_scoped3A_158, %dma_wait3A_179, %dma_wait3A_180] : memref<2x128x24xf32, #tpu.memory_space<vmem>> -> memref<1x128x24xf32, #tpu.memory_space<vmem>>
        %dma_wait3A_182 = tpu.memref_squeeze %dma_wait3A_181 : memref<1x128x24xf32, #tpu.memory_space<vmem>> -> memref<128x24xf32, #tpu.memory_space<vmem>>
        %dma_wait3A_183 = arith.constant 0 : i32
        %dma_wait3A_184 = tpu.memref_slice %arg10[%run_scoped3A_159, %dma_wait3A_183] : memref<160x128xi32, #tpu.memory_space<vmem>> -> memref<1x128xi32, #tpu.memory_space<vmem>>
        %dma_wait3A_185 = tpu.memref_squeeze %dma_wait3A_184 : memref<1x128xi32, #tpu.memory_space<vmem>> -> memref<128xi32, #tpu.memory_space<vmem>>
        %dma_wait3A_186 = arith.constant 0 : i32
        %dma_wait3A_187 = arith.constant 0 : i32
        %dma_wait3A_188 = tpu.memref_slice %arg8[%dma_wait3A_186, %dma_wait3A_187] : memref<10240x24xf32, #tpu.memory_space<vmem_shared>> -> memref<10240x24xf32, #tpu.memory_space<vmem_shared>>
        tpu.wait_indirect_dma semaphore(%run_scoped3A_168 : memref<!tpu.dma_semaphore, #tpu.memory_space<semaphore_mem>>) src(%dma_wait3A_182 : memref<128x24xf32, #tpu.memory_space<vmem>>) dst(%dma_wait3A_188 : memref<10240x24xf32, #tpu.memory_space<vmem_shared>>)
        tpu.yield
      }) : () -> ()
      %barrier3A_160 = arith.constant 0 : index
      tpu.barrier barrier_id(%barrier3A_160)
      %scan3A_161 = arith.constant 0 : i32
      %scan3A_162 = arith.constant 0 : i32
      %scan3A_163 = arith.constant 10 : i32
      %scan3A_164 = arith.addi %scan3A_162, %scan3A_163 : i32
      %scan3A_165 = arith.constant 1 : i32
      scf.for %scan3A_168 = %scan3A_162 to %scan3A_164 step %scan3A_165  : i32 {
        %mul3A_169 = arith.constant 64 : i32
        %mul3A_170 = arith.muli %scan3A_168, %mul3A_169 : i32
        %add3A_171 = arith.addi %mul3A_0, %mul3A_170 : i32
        "tpu.region"() ({
          %run_scoped3A_178 = tpu.sem_alloc : memref<!tpu.dma_semaphore, #tpu.memory_space<semaphore_mem>>
          %dma_start3A_179 = arith.constant 0 : i32
          %dma_start3A_180 = tpu.memref_slice %arg8[%add3A_171, %dma_start3A_179] : memref<10240x24xf32, #tpu.memory_space<vmem_shared>> -> memref<64x24xf32, #tpu.memory_space<vmem_shared>>
          %dma_start3A_181 = arith.constant 0 : i32
          %dma_start3A_182 = tpu.memref_slice %arg8[%add3A_171, %dma_start3A_181] : memref<10240x24xf32, #tpu.memory_space<vmem_shared>> -> memref<64x24xf32, #tpu.memory_space<vmem_shared>>
          tpu.enqueue_dma source(%dma_start3A_182 : memref<64x24xf32, #tpu.memory_space<vmem_shared>>) target(%arg13 : memref<64x24xf32, #tpu.memory_space<vmem>>) target_semaphore(%run_scoped3A_178 : memref<!tpu.dma_semaphore, #tpu.memory_space<semaphore_mem>>)
          %dma_wait3A_183 = arith.constant 0 : i32
          %dma_wait3A_184 = tpu.memref_slice %arg8[%add3A_171, %dma_wait3A_183] : memref<10240x24xf32, #tpu.memory_space<vmem_shared>> -> memref<64x24xf32, #tpu.memory_space<vmem_shared>>
          %dma_wait3A_185 = arith.constant 0 : i32
          %dma_wait3A_186 = tpu.memref_slice %arg8[%add3A_171, %dma_wait3A_185] : memref<10240x24xf32, #tpu.memory_space<vmem_shared>> -> memref<64x24xf32, #tpu.memory_space<vmem_shared>>
          tpu.wait_dma2 semaphore(%run_scoped3A_178 : memref<!tpu.dma_semaphore, #tpu.memory_space<semaphore_mem>>) src(%dma_wait3A_186 : memref<64x24xf32, #tpu.memory_space<vmem_shared>>) dst(%arg13 : memref<64x24xf32, #tpu.memory_space<vmem>>)
          tpu.yield
        }) : () -> ()
        %scan3A_172 = arith.constant 0 : i32
        %scan3A_173 = arith.constant 0 : i32
        %scan3A_174 = arith.constant 64 : i32
        %scan3A_175 = arith.addi %scan3A_173, %scan3A_174 : i32
        %scan3A_176 = arith.constant 1 : i32
        scf.for %scan3A_178 = %scan3A_173 to %scan3A_175 step %scan3A_176  : i32 {
          %mul3A_179 = arith.constant 64 : i32
          %mul3A_180 = arith.muli %scan3A_168, %mul3A_179 : i32
          %add3A_181 = arith.addi %mul3A_180, %scan3A_178 : i32
          %get3A = arith.index_cast %add3A_181 : i32 to index
          %get3A_182 = arith.constant 0 : index
          %get3A_183 = tpu.vector_load %arg12[%get3A, %get3A_182] {strides = array<i32>} : memref<640x16xf32, #tpu.memory_space<vmem>>, vector<1x16xf32>,
          %get3A_184 = vector.shape_cast %get3A_183 : vector<1x16xf32> to vector<16xf32>
          %get3A_185 = arith.index_cast %scan3A_178 : i32 to index
          %get3A_186 = arith.constant 0 : index
          %get3A_187 = tpu.vector_load %arg13[%get3A_185, %get3A_186] {strides = array<i32>} : memref<64x24xf32, #tpu.memory_space<vmem>>, vector<1x16xf32>,
          %get3A_188 = vector.shape_cast %get3A_187 : vector<1x16xf32> to vector<16xf32>
          %get3A_189 = arith.index_cast %scan3A_178 : i32 to index
          %get3A_190 = arith.constant 8 : index
          %get3A_191 = tpu.vector_load %arg13[%get3A_189, %get3A_190] {strides = array<i32>} : memref<64x24xf32, #tpu.memory_space<vmem>>, vector<1x16xf32>,
          %get3A_192 = vector.shape_cast %get3A_191 : vector<1x16xf32> to vector<16xf32>
          %mul3A_193 = arith.mulf %get3A_184, %get3A_188 : vector<16xf32>
          %get3A_194 = arith.index_cast %add3A_181 : i32 to index
          %get3A_195 = arith.constant 0 : index
          %get3A_196 = tpu.vector_load %arg11[%get3A_194, %get3A_195] {strides = array<i32>} : memref<640x24xf32, #tpu.memory_space<vmem>>, vector<1x16xf32>,
          %get3A_197 = vector.shape_cast %get3A_196 : vector<1x16xf32> to vector<16xf32>
          %add3A_198 = arith.addf %mul3A_193, %get3A_197 : vector<16xf32>
          %swap3A = arith.index_cast %scan3A_178 : i32 to index
          %swap3A_199 = arith.constant 0 : index
          %swap3A_200 = tpu.vector_load %arg13[%swap3A, %swap3A_199] {strides = array<i32>} : memref<64x24xf32, #tpu.memory_space<vmem>>, vector<1x16xf32>,
          %swap3A_201 = vector.shape_cast %swap3A_200 : vector<1x16xf32> to vector<16xf32>
          %swap3A_202 = vector.shape_cast %add3A_198 : vector<16xf32> to vector<1x16xf32>
          tpu.vector_store %arg13[%swap3A, %swap3A_199], %swap3A_202 {strides = array<i32>} : memref<64x24xf32, #tpu.memory_space<vmem>>, vector<1x16xf32>,
          %mul3A_203 = arith.mulf %get3A_184, %get3A_192 : vector<16xf32>
          %get3A_204 = arith.index_cast %add3A_181 : i32 to index
          %get3A_205 = arith.constant 8 : index
          %get3A_206 = tpu.vector_load %arg11[%get3A_204, %get3A_205] {strides = array<i32>} : memref<640x24xf32, #tpu.memory_space<vmem>>, vector<1x16xf32>,
          %get3A_207 = vector.shape_cast %get3A_206 : vector<1x16xf32> to vector<16xf32>
          %add3A_208 = arith.addf %mul3A_203, %get3A_207 : vector<16xf32>
          %swap3A_209 = arith.index_cast %scan3A_178 : i32 to index
          %swap3A_210 = arith.constant 8 : index
          %swap3A_211 = tpu.vector_load %arg13[%swap3A_209, %swap3A_210] {strides = array<i32>} : memref<64x24xf32, #tpu.memory_space<vmem>>, vector<1x16xf32>,
          %swap3A_212 = vector.shape_cast %swap3A_211 : vector<1x16xf32> to vector<16xf32>
          %swap3A_213 = vector.shape_cast %add3A_208 : vector<16xf32> to vector<1x16xf32>
          tpu.vector_store %arg13[%swap3A_209, %swap3A_210], %swap3A_213 {strides = array<i32>} : memref<64x24xf32, #tpu.memory_space<vmem>>, vector<1x16xf32>,
        }
        %scan3A_177 = arith.constant 64 : i32
        "tpu.region"() ({
          %run_scoped3A_178 = tpu.sem_alloc : memref<!tpu.dma_semaphore, #tpu.memory_space<semaphore_mem>>
          %dma_start3A_179 = arith.constant 0 : i32
          %dma_start3A_180 = tpu.memref_slice %arg7[%add3A_171, %dma_start3A_179] : memref<10240x24xf32, #tpu.memory_space<vmem_shared>> -> memref<64x24xf32, #tpu.memory_space<vmem_shared>>
          %dma_start3A_181 = arith.constant 0 : i32
          %dma_start3A_182 = tpu.memref_slice %arg7[%add3A_171, %dma_start3A_181] : memref<10240x24xf32, #tpu.memory_space<vmem_shared>> -> memref<64x24xf32, #tpu.memory_space<vmem_shared>>
          tpu.enqueue_dma source(%arg13 : memref<64x24xf32, #tpu.memory_space<vmem>>) target(%dma_start3A_182 : memref<64x24xf32, #tpu.memory_space<vmem_shared>>) target_semaphore(%run_scoped3A_178 : memref<!tpu.dma_semaphore, #tpu.memory_space<semaphore_mem>>)
          %dma_wait3A_183 = arith.constant 0 : i32
          %dma_wait3A_184 = tpu.memref_slice %arg7[%add3A_171, %dma_wait3A_183] : memref<10240x24xf32, #tpu.memory_space<vmem_shared>> -> memref<64x24xf32, #tpu.memory_space<vmem_shared>>
          %dma_wait3A_185 = arith.constant 0 : i32
          %dma_wait3A_186 = tpu.memref_slice %arg7[%add3A_171, %dma_wait3A_185] : memref<10240x24xf32, #tpu.memory_space<vmem_shared>> -> memref<64x24xf32, #tpu.memory_space<vmem_shared>>
          tpu.wait_dma2 semaphore(%run_scoped3A_178 : memref<!tpu.dma_semaphore, #tpu.memory_space<semaphore_mem>>) src(%arg13 : memref<64x24xf32, #tpu.memory_space<vmem>>) dst(%dma_wait3A_186 : memref<64x24xf32, #tpu.memory_space<vmem_shared>>)
          tpu.yield
        }) : () -> ()
        "tpu.region"() ({
          %run_scoped3A_178 = tpu.sem_alloc : memref<!tpu.dma_semaphore, #tpu.memory_space<semaphore_mem>>
          %dma_start3A_179 = arith.constant 0 : i32
          %dma_start3A_180 = tpu.memref_slice %arg8[%add3A_171, %dma_start3A_179] : memref<10240x24xf32, #tpu.memory_space<vmem_shared>> -> memref<64x24xf32, #tpu.memory_space<vmem_shared>>
          %dma_start3A_181 = arith.constant 0 : i32
          %dma_start3A_182 = tpu.memref_slice %arg8[%add3A_171, %dma_start3A_181] : memref<10240x24xf32, #tpu.memory_space<vmem_shared>> -> memref<64x24xf32, #tpu.memory_space<vmem_shared>>
          tpu.enqueue_dma source(%arg15 : memref<64x24xf32, #tpu.memory_space<vmem>>) target(%dma_start3A_182 : memref<64x24xf32, #tpu.memory_space<vmem_shared>>) target_semaphore(%run_scoped3A_178 : memref<!tpu.dma_semaphore, #tpu.memory_space<semaphore_mem>>)
          %dma_wait3A_183 = arith.constant 0 : i32
          %dma_wait3A_184 = tpu.memref_slice %arg8[%add3A_171, %dma_wait3A_183] : memref<10240x24xf32, #tpu.memory_space<vmem_shared>> -> memref<64x24xf32, #tpu.memory_space<vmem_shared>>
          %dma_wait3A_185 = arith.constant 0 : i32
          %dma_wait3A_186 = tpu.memref_slice %arg8[%add3A_171, %dma_wait3A_185] : memref<10240x24xf32, #tpu.memory_space<vmem_shared>> -> memref<64x24xf32, #tpu.memory_space<vmem_shared>>
          tpu.wait_dma2 semaphore(%run_scoped3A_178 : memref<!tpu.dma_semaphore, #tpu.memory_space<semaphore_mem>>) src(%arg15 : memref<64x24xf32, #tpu.memory_space<vmem>>) dst(%dma_wait3A_186 : memref<64x24xf32, #tpu.memory_space<vmem_shared>>)
          tpu.yield
        }) : () -> ()
      }
      %scan3A_166 = arith.constant 10 : i32
      %barrier3A_167 = arith.constant 0 : index
      tpu.barrier barrier_id(%barrier3A_167)
    }
    %scan3A_26 = arith.constant 9 : i32
    %dma_start3A = arith.constant 0 : i32
    %dma_start3A_27 = arith.constant 0 : i32
    %dma_start3A_28 = arith.constant 0 : i32
    %dma_start3A_29 = arith.constant 0 : i32
    %dma_start3A_30 = tpu.memref_slice %arg14[%dma_start3A_27, %dma_start3A_28, %dma_start3A_29] : memref<2x128x24xf32, #tpu.memory_space<vmem>> -> memref<1x128x24xf32, #tpu.memory_space<vmem>>
    %dma_start3A_31 = tpu.memref_squeeze %dma_start3A_30 : memref<1x128x24xf32, #tpu.memory_space<vmem>> -> memref<128x24xf32, #tpu.memory_space<vmem>>
    %dma_start3A_32 = arith.constant 0 : i32
    %dma_start3A_33 = tpu.memref_slice %arg9[%dma_start3A, %dma_start3A_32] : memref<160x128xi32, #tpu.memory_space<vmem>> -> memref<1x128xi32, #tpu.memory_space<vmem>>
    %dma_start3A_34 = tpu.memref_squeeze %dma_start3A_33 : memref<1x128xi32, #tpu.memory_space<vmem>> -> memref<128xi32, #tpu.memory_space<vmem>>
    %dma_start3A_35 = arith.constant 0 : i32
    %dma_start3A_36 = arith.constant 0 : i32
    %dma_start3A_37 = tpu.memref_slice %arg7[%dma_start3A_35, %dma_start3A_36] : memref<10240x24xf32, #tpu.memory_space<vmem_shared>> -> memref<10240x24xf32, #tpu.memory_space<vmem_shared>>
    tpu.enqueue_indirect_dma source(%dma_start3A_37 : memref<10240x24xf32, #tpu.memory_space<vmem_shared>>) target(%dma_start3A_31 : memref<128x24xf32, #tpu.memory_space<vmem>>) offsets(%dma_start3A_34 : memref<128xi32, #tpu.memory_space<vmem>>) semaphore(%arg18 : memref<!tpu.dma_semaphore, #tpu.memory_space<semaphore_mem>>)
    %scan3A_38 = arith.constant 0 : i32
    %scan3A_39 = arith.constant 0 : i32
    %scan3A_40 = arith.constant 79 : i32
    %scan3A_41 = arith.addi %scan3A_39, %scan3A_40 : i32
    %scan3A_42 = arith.constant 1 : i32
    scf.for %scan3A_95 = %scan3A_39 to %scan3A_41 step %scan3A_42  : i32 {
      %mul3A_96 = arith.constant 2 : i32
      %mul3A_97 = arith.muli %mul3A_96, %scan3A_95 : i32
      %dma_wait3A_98 = arith.constant 0 : i32
      %dma_wait3A_99 = arith.constant 0 : i32
      %dma_wait3A_100 = arith.constant 0 : i32
      %dma_wait3A_101 = tpu.memref_slice %arg14[%dma_wait3A_98, %dma_wait3A_99, %dma_wait3A_100] : memref<2x128x24xf32, #tpu.memory_space<vmem>> -> memref<1x128x24xf32, #tpu.memory_space<vmem>>
      %dma_wait3A_102 = tpu.memref_squeeze %dma_wait3A_101 : memref<1x128x24xf32, #tpu.memory_space<vmem>> -> memref<128x24xf32, #tpu.memory_space<vmem>>
      %dma_wait3A_103 = arith.constant 0 : i32
      %dma_wait3A_104 = arith.constant 0 : i32
      %dma_wait3A_105 = tpu.memref_slice %arg2[%dma_wait3A_103, %dma_wait3A_104] : memref<20480x24xf32, #tpu.memory_space<hbm>> -> memref<128x24xf32, #tpu.memory_space<hbm>>
      %dma_wait3A_106 = arith.constant 0 : i32
      %dma_wait3A_107 = arith.constant 0 : i32
      %dma_wait3A_108 = tpu.memref_slice %arg14[%dma_wait3A_98, %dma_wait3A_106, %dma_wait3A_107] : memref<2x128x24xf32, #tpu.memory_space<vmem>> -> memref<1x128x24xf32, #tpu.memory_space<vmem>>
      %dma_wait3A_109 = tpu.memref_squeeze %dma_wait3A_108 : memref<1x128x24xf32, #tpu.memory_space<vmem>> -> memref<128x24xf32, #tpu.memory_space<vmem>>
      %dma_wait3A_110 = arith.constant 0 : i32
      %dma_wait3A_111 = arith.constant 0 : i32
      %dma_wait3A_112 = tpu.memref_slice %arg2[%dma_wait3A_110, %dma_wait3A_111] : memref<20480x24xf32, #tpu.memory_space<hbm>> -> memref<128x24xf32, #tpu.memory_space<hbm>>
      tpu.wait_dma2 semaphore(%arg18 : memref<!tpu.dma_semaphore, #tpu.memory_space<semaphore_mem>>) src(%dma_wait3A_112 : memref<128x24xf32, #tpu.memory_space<hbm>>) dst(%dma_wait3A_109 : memref<128x24xf32, #tpu.memory_space<vmem>>)
      %add3A_113 = arith.constant 1 : i32
      %add3A_114 = arith.addi %mul3A_97, %add3A_113 : i32
      %dma_start3A_115 = arith.constant 1 : i32
      %dma_start3A_116 = arith.constant 0 : i32
      %dma_start3A_117 = arith.constant 0 : i32
      %dma_start3A_118 = tpu.memref_slice %arg14[%dma_start3A_115, %dma_start3A_116, %dma_start3A_117] : memref<2x128x24xf32, #tpu.memory_space<vmem>> -> memref<1x128x24xf32, #tpu.memory_space<vmem>>
      %dma_start3A_119 = tpu.memref_squeeze %dma_start3A_118 : memref<1x128x24xf32, #tpu.memory_space<vmem>> -> memref<128x24xf32, #tpu.memory_space<vmem>>
      %dma_start3A_120 = arith.constant 0 : i32
      %dma_start3A_121 = tpu.memref_slice %arg9[%add3A_114, %dma_start3A_120] : memref<160x128xi32, #tpu.memory_space<vmem>> -> memref<1x128xi32, #tpu.memory_space<vmem>>
      %dma_start3A_122 = tpu.memref_squeeze %dma_start3A_121 : memref<1x128xi32, #tpu.memory_space<vmem>> -> memref<128xi32, #tpu.memory_space<vmem>>
      %dma_start3A_123 = arith.constant 0 : i32
      %dma_start3A_124 = arith.constant 0 : i32
      %dma_start3A_125 = tpu.memref_slice %arg7[%dma_start3A_123, %dma_start3A_124] : memref<10240x24xf32, #tpu.memory_space<vmem_shared>> -> memref<10240x24xf32, #tpu.memory_space<vmem_shared>>
      tpu.enqueue_indirect_dma source(%dma_start3A_125 : memref<10240x24xf32, #tpu.memory_space<vmem_shared>>) target(%dma_start3A_119 : memref<128x24xf32, #tpu.memory_space<vmem>>) offsets(%dma_start3A_122 : memref<128xi32, #tpu.memory_space<vmem>>) semaphore(%arg18 : memref<!tpu.dma_semaphore, #tpu.memory_space<semaphore_mem>>)
      %run_scoped3A_126 = arith.constant 0 : i32
      "tpu.region"() ({
        %run_scoped3A_158 = tpu.sem_alloc : memref<!tpu.dma_semaphore, #tpu.memory_space<semaphore_mem>>
        %dma_start3A_159 = arith.constant 0 : i32
        %dma_start3A_160 = arith.constant 0 : i32
        %dma_start3A_161 = tpu.memref_slice %arg14[%run_scoped3A_126, %dma_start3A_159, %dma_start3A_160] : memref<2x128x24xf32, #tpu.memory_space<vmem>> -> memref<1x128x24xf32, #tpu.memory_space<vmem>>
        %dma_start3A_162 = tpu.memref_squeeze %dma_start3A_161 : memref<1x128x24xf32, #tpu.memory_space<vmem>> -> memref<128x24xf32, #tpu.memory_space<vmem>>
        %dma_start3A_163 = arith.constant 0 : i32
        %dma_start3A_164 = tpu.memref_slice %arg10[%mul3A_97, %dma_start3A_163] : memref<160x128xi32, #tpu.memory_space<vmem>> -> memref<1x128xi32, #tpu.memory_space<vmem>>
        %dma_start3A_165 = tpu.memref_squeeze %dma_start3A_164 : memref<1x128xi32, #tpu.memory_space<vmem>> -> memref<128xi32, #tpu.memory_space<vmem>>
        %dma_start3A_166 = arith.constant 0 : i32
        %dma_start3A_167 = arith.constant 0 : i32
        %dma_start3A_168 = tpu.memref_slice %arg8[%dma_start3A_166, %dma_start3A_167] : memref<10240x24xf32, #tpu.memory_space<vmem_shared>> -> memref<10240x24xf32, #tpu.memory_space<vmem_shared>>
        tpu.enqueue_indirect_dma source(%dma_start3A_162 : memref<128x24xf32, #tpu.memory_space<vmem>>) target(%dma_start3A_168 : memref<10240x24xf32, #tpu.memory_space<vmem_shared>>) offsets(%dma_start3A_165 : memref<128xi32, #tpu.memory_space<vmem>>) semaphore(%run_scoped3A_158 : memref<!tpu.dma_semaphore, #tpu.memory_space<semaphore_mem>>) {add = true}
        %dma_wait3A_169 = arith.constant 0 : i32
        %dma_wait3A_170 = arith.constant 0 : i32
        %dma_wait3A_171 = tpu.memref_slice %arg14[%run_scoped3A_126, %dma_wait3A_169, %dma_wait3A_170] : memref<2x128x24xf32, #tpu.memory_space<vmem>> -> memref<1x128x24xf32, #tpu.memory_space<vmem>>
        %dma_wait3A_172 = tpu.memref_squeeze %dma_wait3A_171 : memref<1x128x24xf32, #tpu.memory_space<vmem>> -> memref<128x24xf32, #tpu.memory_space<vmem>>
        %dma_wait3A_173 = arith.constant 0 : i32
        %dma_wait3A_174 = tpu.memref_slice %arg10[%mul3A_97, %dma_wait3A_173] : memref<160x128xi32, #tpu.memory_space<vmem>> -> memref<1x128xi32, #tpu.memory_space<vmem>>
        %dma_wait3A_175 = tpu.memref_squeeze %dma_wait3A_174 : memref<1x128xi32, #tpu.memory_space<vmem>> -> memref<128xi32, #tpu.memory_space<vmem>>
        %dma_wait3A_176 = arith.constant 0 : i32
        %dma_wait3A_177 = arith.constant 0 : i32
        %dma_wait3A_178 = tpu.memref_slice %arg8[%dma_wait3A_176, %dma_wait3A_177] : memref<10240x24xf32, #tpu.memory_space<vmem_shared>> -> memref<10240x24xf32, #tpu.memory_space<vmem_shared>>
        tpu.wait_indirect_dma semaphore(%run_scoped3A_158 : memref<!tpu.dma_semaphore, #tpu.memory_space<semaphore_mem>>) src(%dma_wait3A_172 : memref<128x24xf32, #tpu.memory_space<vmem>>) dst(%dma_wait3A_178 : memref<10240x24xf32, #tpu.memory_space<vmem_shared>>)
        tpu.yield
      }) : () -> ()
      %dma_wait3A_127 = arith.constant 1 : i32
      %dma_wait3A_128 = arith.constant 0 : i32
      %dma_wait3A_129 = arith.constant 0 : i32
      %dma_wait3A_130 = tpu.memref_slice %arg14[%dma_wait3A_127, %dma_wait3A_128, %dma_wait3A_129] : memref<2x128x24xf32, #tpu.memory_space<vmem>> -> memref<1x128x24xf32, #tpu.memory_space<vmem>>
      %dma_wait3A_131 = tpu.memref_squeeze %dma_wait3A_130 : memref<1x128x24xf32, #tpu.memory_space<vmem>> -> memref<128x24xf32, #tpu.memory_space<vmem>>
      %dma_wait3A_132 = arith.constant 0 : i32
      %dma_wait3A_133 = arith.constant 0 : i32
      %dma_wait3A_134 = tpu.memref_slice %arg2[%dma_wait3A_132, %dma_wait3A_133] : memref<20480x24xf32, #tpu.memory_space<hbm>> -> memref<128x24xf32, #tpu.memory_space<hbm>>
      %dma_wait3A_135 = arith.constant 0 : i32
      %dma_wait3A_136 = arith.constant 0 : i32
      %dma_wait3A_137 = tpu.memref_slice %arg14[%dma_wait3A_127, %dma_wait3A_135, %dma_wait3A_136] : memref<2x128x24xf32, #tpu.memory_space<vmem>> -> memref<1x128x24xf32, #tpu.memory_space<vmem>>
      %dma_wait3A_138 = tpu.memref_squeeze %dma_wait3A_137 : memref<1x128x24xf32, #tpu.memory_space<vmem>> -> memref<128x24xf32, #tpu.memory_space<vmem>>
      %dma_wait3A_139 = arith.constant 0 : i32
      %dma_wait3A_140 = arith.constant 0 : i32
      %dma_wait3A_141 = tpu.memref_slice %arg2[%dma_wait3A_139, %dma_wait3A_140] : memref<20480x24xf32, #tpu.memory_space<hbm>> -> memref<128x24xf32, #tpu.memory_space<hbm>>
      tpu.wait_dma2 semaphore(%arg18 : memref<!tpu.dma_semaphore, #tpu.memory_space<semaphore_mem>>) src(%dma_wait3A_141 : memref<128x24xf32, #tpu.memory_space<hbm>>) dst(%dma_wait3A_138 : memref<128x24xf32, #tpu.memory_space<vmem>>)
      %add3A_142 = arith.constant 2 : i32
      %add3A_143 = arith.addi %mul3A_97, %add3A_142 : i32
      %dma_start3A_144 = arith.constant 0 : i32
      %dma_start3A_145 = arith.constant 0 : i32
      %dma_start3A_146 = arith.constant 0 : i32
      %dma_start3A_147 = tpu.memref_slice %arg14[%dma_start3A_144, %dma_start3A_145, %dma_start3A_146] : memref<2x128x24xf32, #tpu.memory_space<vmem>> -> memref<1x128x24xf32, #tpu.memory_space<vmem>>
      %dma_start3A_148 = tpu.memref_squeeze %dma_start3A_147 : memref<1x128x24xf32, #tpu.memory_space<vmem>> -> memref<128x24xf32, #tpu.memory_space<vmem>>
      %dma_start3A_149 = arith.constant 0 : i32
      %dma_start3A_150 = tpu.memref_slice %arg9[%add3A_143, %dma_start3A_149] : memref<160x128xi32, #tpu.memory_space<vmem>> -> memref<1x128xi32, #tpu.memory_space<vmem>>
      %dma_start3A_151 = tpu.memref_squeeze %dma_start3A_150 : memref<1x128xi32, #tpu.memory_space<vmem>> -> memref<128xi32, #tpu.memory_space<vmem>>
      %dma_start3A_152 = arith.constant 0 : i32
      %dma_start3A_153 = arith.constant 0 : i32
      %dma_start3A_154 = tpu.memref_slice %arg7[%dma_start3A_152, %dma_start3A_153] : memref<10240x24xf32, #tpu.memory_space<vmem_shared>> -> memref<10240x24xf32, #tpu.memory_space<vmem_shared>>
      tpu.enqueue_indirect_dma source(%dma_start3A_154 : memref<10240x24xf32, #tpu.memory_space<vmem_shared>>) target(%dma_start3A_148 : memref<128x24xf32, #tpu.memory_space<vmem>>) offsets(%dma_start3A_151 : memref<128xi32, #tpu.memory_space<vmem>>) semaphore(%arg18 : memref<!tpu.dma_semaphore, #tpu.memory_space<semaphore_mem>>)
      %add3A_155 = arith.constant 1 : i32
      %add3A_156 = arith.addi %mul3A_97, %add3A_155 : i32
      %run_scoped3A_157 = arith.constant 1 : i32
      "tpu.region"() ({
        %run_scoped3A_158 = tpu.sem_alloc : memref<!tpu.dma_semaphore, #tpu.memory_space<semaphore_mem>>
        %dma_start3A_159 = arith.constant 0 : i32
        %dma_start3A_160 = arith.constant 0 : i32
        %dma_start3A_161 = tpu.memref_slice %arg14[%run_scoped3A_157, %dma_start3A_159, %dma_start3A_160] : memref<2x128x24xf32, #tpu.memory_space<vmem>> -> memref<1x128x24xf32, #tpu.memory_space<vmem>>
        %dma_start3A_162 = tpu.memref_squeeze %dma_start3A_161 : memref<1x128x24xf32, #tpu.memory_space<vmem>> -> memref<128x24xf32, #tpu.memory_space<vmem>>
        %dma_start3A_163 = arith.constant 0 : i32
        %dma_start3A_164 = tpu.memref_slice %arg10[%add3A_156, %dma_start3A_163] : memref<160x128xi32, #tpu.memory_space<vmem>> -> memref<1x128xi32, #tpu.memory_space<vmem>>
        %dma_start3A_165 = tpu.memref_squeeze %dma_start3A_164 : memref<1x128xi32, #tpu.memory_space<vmem>> -> memref<128xi32, #tpu.memory_space<vmem>>
        %dma_start3A_166 = arith.constant 0 : i32
        %dma_start3A_167 = arith.constant 0 : i32
        %dma_start3A_168 = tpu.memref_slice %arg8[%dma_start3A_166, %dma_start3A_167] : memref<10240x24xf32, #tpu.memory_space<vmem_shared>> -> memref<10240x24xf32, #tpu.memory_space<vmem_shared>>
        tpu.enqueue_indirect_dma source(%dma_start3A_162 : memref<128x24xf32, #tpu.memory_space<vmem>>) target(%dma_start3A_168 : memref<10240x24xf32, #tpu.memory_space<vmem_shared>>) offsets(%dma_start3A_165 : memref<128xi32, #tpu.memory_space<vmem>>) semaphore(%run_scoped3A_158 : memref<!tpu.dma_semaphore, #tpu.memory_space<semaphore_mem>>) {add = true}
        %dma_wait3A_169 = arith.constant 0 : i32
        %dma_wait3A_170 = arith.constant 0 : i32
        %dma_wait3A_171 = tpu.memref_slice %arg14[%run_scoped3A_157, %dma_wait3A_169, %dma_wait3A_170] : memref<2x128x24xf32, #tpu.memory_space<vmem>> -> memref<1x128x24xf32, #tpu.memory_space<vmem>>
        %dma_wait3A_172 = tpu.memref_squeeze %dma_wait3A_171 : memref<1x128x24xf32, #tpu.memory_space<vmem>> -> memref<128x24xf32, #tpu.memory_space<vmem>>
        %dma_wait3A_173 = arith.constant 0 : i32
        %dma_wait3A_174 = tpu.memref_slice %arg10[%add3A_156, %dma_wait3A_173] : memref<160x128xi32, #tpu.memory_space<vmem>> -> memref<1x128xi32, #tpu.memory_space<vmem>>
        %dma_wait3A_175 = tpu.memref_squeeze %dma_wait3A_174 : memref<1x128xi32, #tpu.memory_space<vmem>> -> memref<128xi32, #tpu.memory_space<vmem>>
        %dma_wait3A_176 = arith.constant 0 : i32
        %dma_wait3A_177 = arith.constant 0 : i32
        %dma_wait3A_178 = tpu.memref_slice %arg8[%dma_wait3A_176, %dma_wait3A_177] : memref<10240x24xf32, #tpu.memory_space<vmem_shared>> -> memref<10240x24xf32, #tpu.memory_space<vmem_shared>>
        tpu.wait_indirect_dma semaphore(%run_scoped3A_158 : memref<!tpu.dma_semaphore, #tpu.memory_space<semaphore_mem>>) src(%dma_wait3A_172 : memref<128x24xf32, #tpu.memory_space<vmem>>) dst(%dma_wait3A_178 : memref<10240x24xf32, #tpu.memory_space<vmem_shared>>)
        tpu.yield
      }) : () -> ()
    }
    %scan3A_43 = arith.constant 79 : i32
    %dma_wait3A = arith.constant 0 : i32
    %dma_wait3A_44 = arith.constant 0 : i32
    %dma_wait3A_45 = arith.constant 0 : i32
    %dma_wait3A_46 = tpu.memref_slice %arg14[%dma_wait3A, %dma_wait3A_44, %dma_wait3A_45] : memref<2x128x24xf32, #tpu.memory_space<vmem>> -> memref<1x128x24xf32, #tpu.memory_space<vmem>>
    %dma_wait3A_47 = tpu.memref_squeeze %dma_wait3A_46 : memref<1x128x24xf32, #tpu.memory_space<vmem>> -> memref<128x24xf32, #tpu.memory_space<vmem>>
    %dma_wait3A_48 = arith.constant 0 : i32
    %dma_wait3A_49 = arith.constant 0 : i32
    %dma_wait3A_50 = tpu.memref_slice %arg2[%dma_wait3A_48, %dma_wait3A_49] : memref<20480x24xf32, #tpu.memory_space<hbm>> -> memref<128x24xf32, #tpu.memory_space<hbm>>
    %dma_wait3A_51 = arith.constant 0 : i32
    %dma_wait3A_52 = arith.constant 0 : i32
    %dma_wait3A_53 = tpu.memref_slice %arg14[%dma_wait3A, %dma_wait3A_51, %dma_wait3A_52] : memref<2x128x24xf32, #tpu.memory_space<vmem>> -> memref<1x128x24xf32, #tpu.memory_space<vmem>>
    %dma_wait3A_54 = tpu.memref_squeeze %dma_wait3A_53 : memref<1x128x24xf32, #tpu.memory_space<vmem>> -> memref<128x24xf32, #tpu.memory_space<vmem>>
    %dma_wait3A_55 = arith.constant 0 : i32
    %dma_wait3A_56 = arith.constant 0 : i32
    %dma_wait3A_57 = tpu.memref_slice %arg2[%dma_wait3A_55, %dma_wait3A_56] : memref<20480x24xf32, #tpu.memory_space<hbm>> -> memref<128x24xf32, #tpu.memory_space<hbm>>
    tpu.wait_dma2 semaphore(%arg18 : memref<!tpu.dma_semaphore, #tpu.memory_space<semaphore_mem>>) src(%dma_wait3A_57 : memref<128x24xf32, #tpu.memory_space<hbm>>) dst(%dma_wait3A_54 : memref<128x24xf32, #tpu.memory_space<vmem>>)
    %dma_start3A_58 = arith.constant 159 : i32
    %dma_start3A_59 = arith.constant 1 : i32
    %dma_start3A_60 = arith.constant 0 : i32
    %dma_start3A_61 = arith.constant 0 : i32
    %dma_start3A_62 = tpu.memref_slice %arg14[%dma_start3A_59, %dma_start3A_60, %dma_start3A_61] : memref<2x128x24xf32, #tpu.memory_space<vmem>> -> memref<1x128x24xf32, #tpu.memory_space<vmem>>
    %dma_start3A_63 = tpu.memref_squeeze %dma_start3A_62 : memref<1x128x24xf32, #tpu.memory_space<vmem>> -> memref<128x24xf32, #tpu.memory_space<vmem>>
    %dma_start3A_64 = arith.constant 0 : i32
    %dma_start3A_65 = tpu.memref_slice %arg9[%dma_start3A_58, %dma_start3A_64] : memref<160x128xi32, #tpu.memory_space<vmem>> -> memref<1x128xi32, #tpu.memory_space<vmem>>
    %dma_start3A_66 = tpu.memref_squeeze %dma_start3A_65 : memref<1x128xi32, #tpu.memory_space<vmem>> -> memref<128xi32, #tpu.memory_space<vmem>>
    %dma_start3A_67 = arith.constant 0 : i32
    %dma_start3A_68 = arith.constant 0 : i32
    %dma_start3A_69 = tpu.memref_slice %arg7[%dma_start3A_67, %dma_start3A_68] : memref<10240x24xf32, #tpu.memory_space<vmem_shared>> -> memref<10240x24xf32, #tpu.memory_space<vmem_shared>>
    tpu.enqueue_indirect_dma source(%dma_start3A_69 : memref<10240x24xf32, #tpu.memory_space<vmem_shared>>) target(%dma_start3A_63 : memref<128x24xf32, #tpu.memory_space<vmem>>) offsets(%dma_start3A_66 : memref<128xi32, #tpu.memory_space<vmem>>) semaphore(%arg18 : memref<!tpu.dma_semaphore, #tpu.memory_space<semaphore_mem>>)
    %run_scoped3A = arith.constant 0 : i32
    %run_scoped3A_70 = arith.constant 158 : i32
    "tpu.region"() ({
      %run_scoped3A_95 = tpu.sem_alloc : memref<!tpu.dma_semaphore, #tpu.memory_space<semaphore_mem>>
      %dma_start3A_96 = arith.constant 0 : i32
      %dma_start3A_97 = arith.constant 0 : i32
      %dma_start3A_98 = tpu.memref_slice %arg14[%run_scoped3A, %dma_start3A_96, %dma_start3A_97] : memref<2x128x24xf32, #tpu.memory_space<vmem>> -> memref<1x128x24xf32, #tpu.memory_space<vmem>>
      %dma_start3A_99 = tpu.memref_squeeze %dma_start3A_98 : memref<1x128x24xf32, #tpu.memory_space<vmem>> -> memref<128x24xf32, #tpu.memory_space<vmem>>
      %dma_start3A_100 = arith.constant 0 : i32
      %dma_start3A_101 = tpu.memref_slice %arg10[%run_scoped3A_70, %dma_start3A_100] : memref<160x128xi32, #tpu.memory_space<vmem>> -> memref<1x128xi32, #tpu.memory_space<vmem>>
      %dma_start3A_102 = tpu.memref_squeeze %dma_start3A_101 : memref<1x128xi32, #tpu.memory_space<vmem>> -> memref<128xi32, #tpu.memory_space<vmem>>
      %dma_start3A_103 = arith.constant 0 : i32
      %dma_start3A_104 = arith.constant 0 : i32
      %dma_start3A_105 = tpu.memref_slice %arg8[%dma_start3A_103, %dma_start3A_104] : memref<10240x24xf32, #tpu.memory_space<vmem_shared>> -> memref<10240x24xf32, #tpu.memory_space<vmem_shared>>
      tpu.enqueue_indirect_dma source(%dma_start3A_99 : memref<128x24xf32, #tpu.memory_space<vmem>>) target(%dma_start3A_105 : memref<10240x24xf32, #tpu.memory_space<vmem_shared>>) offsets(%dma_start3A_102 : memref<128xi32, #tpu.memory_space<vmem>>) semaphore(%run_scoped3A_95 : memref<!tpu.dma_semaphore, #tpu.memory_space<semaphore_mem>>) {add = true}
      %dma_wait3A_106 = arith.constant 0 : i32
      %dma_wait3A_107 = arith.constant 0 : i32
      %dma_wait3A_108 = tpu.memref_slice %arg14[%run_scoped3A, %dma_wait3A_106, %dma_wait3A_107] : memref<2x128x24xf32, #tpu.memory_space<vmem>> -> memref<1x128x24xf32, #tpu.memory_space<vmem>>
      %dma_wait3A_109 = tpu.memref_squeeze %dma_wait3A_108 : memref<1x128x24xf32, #tpu.memory_space<vmem>> -> memref<128x24xf32, #tpu.memory_space<vmem>>
      %dma_wait3A_110 = arith.constant 0 : i32
      %dma_wait3A_111 = tpu.memref_slice %arg10[%run_scoped3A_70, %dma_wait3A_110] : memref<160x128xi32, #tpu.memory_space<vmem>> -> memref<1x128xi32, #tpu.memory_space<vmem>>
      %dma_wait3A_112 = tpu.memref_squeeze %dma_wait3A_111 : memref<1x128xi32, #tpu.memory_space<vmem>> -> memref<128xi32, #tpu.memory_space<vmem>>
      %dma_wait3A_113 = arith.constant 0 : i32
      %dma_wait3A_114 = arith.constant 0 : i32
      %dma_wait3A_115 = tpu.memref_slice %arg8[%dma_wait3A_113, %dma_wait3A_114] : memref<10240x24xf32, #tpu.memory_space<vmem_shared>> -> memref<10240x24xf32, #tpu.memory_space<vmem_shared>>
      tpu.wait_indirect_dma semaphore(%run_scoped3A_95 : memref<!tpu.dma_semaphore, #tpu.memory_space<semaphore_mem>>) src(%dma_wait3A_109 : memref<128x24xf32, #tpu.memory_space<vmem>>) dst(%dma_wait3A_115 : memref<10240x24xf32, #tpu.memory_space<vmem_shared>>)
      tpu.yield
    }) : () -> ()
    %dma_wait3A_71 = arith.constant 1 : i32
    %dma_wait3A_72 = arith.constant 0 : i32
    %dma_wait3A_73 = arith.constant 0 : i32
    %dma_wait3A_74 = tpu.memref_slice %arg14[%dma_wait3A_71, %dma_wait3A_72, %dma_wait3A_73] : memref<2x128x24xf32, #tpu.memory_space<vmem>> -> memref<1x128x24xf32, #tpu.memory_space<vmem>>
    %dma_wait3A_75 = tpu.memref_squeeze %dma_wait3A_74 : memref<1x128x24xf32, #tpu.memory_space<vmem>> -> memref<128x24xf32, #tpu.memory_space<vmem>>
    %dma_wait3A_76 = arith.constant 0 : i32
    %dma_wait3A_77 = arith.constant 0 : i32
    %dma_wait3A_78 = tpu.memref_slice %arg2[%dma_wait3A_76, %dma_wait3A_77] : memref<20480x24xf32, #tpu.memory_space<hbm>> -> memref<128x24xf32, #tpu.memory_space<hbm>>
    %dma_wait3A_79 = arith.constant 0 : i32
    %dma_wait3A_80 = arith.constant 0 : i32
    %dma_wait3A_81 = tpu.memref_slice %arg14[%dma_wait3A_71, %dma_wait3A_79, %dma_wait3A_80] : memref<2x128x24xf32, #tpu.memory_space<vmem>> -> memref<1x128x24xf32, #tpu.memory_space<vmem>>
    %dma_wait3A_82 = tpu.memref_squeeze %dma_wait3A_81 : memref<1x128x24xf32, #tpu.memory_space<vmem>> -> memref<128x24xf32, #tpu.memory_space<vmem>>
    %dma_wait3A_83 = arith.constant 0 : i32
    %dma_wait3A_84 = arith.constant 0 : i32
    %dma_wait3A_85 = tpu.memref_slice %arg2[%dma_wait3A_83, %dma_wait3A_84] : memref<20480x24xf32, #tpu.memory_space<hbm>> -> memref<128x24xf32, #tpu.memory_space<hbm>>
    tpu.wait_dma2 semaphore(%arg18 : memref<!tpu.dma_semaphore, #tpu.memory_space<semaphore_mem>>) src(%dma_wait3A_85 : memref<128x24xf32, #tpu.memory_space<hbm>>) dst(%dma_wait3A_82 : memref<128x24xf32, #tpu.memory_space<vmem>>)
    %run_scoped3A_86 = arith.constant 1 : i32
    %run_scoped3A_87 = arith.constant 159 : i32
    "tpu.region"() ({
      %run_scoped3A_95 = tpu.sem_alloc : memref<!tpu.dma_semaphore, #tpu.memory_space<semaphore_mem>>
      %dma_start3A_96 = arith.constant 0 : i32
      %dma_start3A_97 = arith.constant 0 : i32
      %dma_start3A_98 = tpu.memref_slice %arg14[%run_scoped3A_86, %dma_start3A_96, %dma_start3A_97] : memref<2x128x24xf32, #tpu.memory_space<vmem>> -> memref<1x128x24xf32, #tpu.memory_space<vmem>>
      %dma_start3A_99 = tpu.memref_squeeze %dma_start3A_98 : memref<1x128x24xf32, #tpu.memory_space<vmem>> -> memref<128x24xf32, #tpu.memory_space<vmem>>
      %dma_start3A_100 = arith.constant 0 : i32
      %dma_start3A_101 = tpu.memref_slice %arg10[%run_scoped3A_87, %dma_start3A_100] : memref<160x128xi32, #tpu.memory_space<vmem>> -> memref<1x128xi32, #tpu.memory_space<vmem>>
      %dma_start3A_102 = tpu.memref_squeeze %dma_start3A_101 : memref<1x128xi32, #tpu.memory_space<vmem>> -> memref<128xi32, #tpu.memory_space<vmem>>
      %dma_start3A_103 = arith.constant 0 : i32
      %dma_start3A_104 = arith.constant 0 : i32
      %dma_start3A_105 = tpu.memref_slice %arg8[%dma_start3A_103, %dma_start3A_104] : memref<10240x24xf32, #tpu.memory_space<vmem_shared>> -> memref<10240x24xf32, #tpu.memory_space<vmem_shared>>
      tpu.enqueue_indirect_dma source(%dma_start3A_99 : memref<128x24xf32, #tpu.memory_space<vmem>>) target(%dma_start3A_105 : memref<10240x24xf32, #tpu.memory_space<vmem_shared>>) offsets(%dma_start3A_102 : memref<128xi32, #tpu.memory_space<vmem>>) semaphore(%run_scoped3A_95 : memref<!tpu.dma_semaphore, #tpu.memory_space<semaphore_mem>>) {add = true}
      %dma_wait3A_106 = arith.constant 0 : i32
      %dma_wait3A_107 = arith.constant 0 : i32
      %dma_wait3A_108 = tpu.memref_slice %arg14[%run_scoped3A_86, %dma_wait3A_106, %dma_wait3A_107] : memref<2x128x24xf32, #tpu.memory_space<vmem>> -> memref<1x128x24xf32, #tpu.memory_space<vmem>>
      %dma_wait3A_109 = tpu.memref_squeeze %dma_wait3A_108 : memref<1x128x24xf32, #tpu.memory_space<vmem>> -> memref<128x24xf32, #tpu.memory_space<vmem>>
      %dma_wait3A_110 = arith.constant 0 : i32
      %dma_wait3A_111 = tpu.memref_slice %arg10[%run_scoped3A_87, %dma_wait3A_110] : memref<160x128xi32, #tpu.memory_space<vmem>> -> memref<1x128xi32, #tpu.memory_space<vmem>>
      %dma_wait3A_112 = tpu.memref_squeeze %dma_wait3A_111 : memref<1x128xi32, #tpu.memory_space<vmem>> -> memref<128xi32, #tpu.memory_space<vmem>>
      %dma_wait3A_113 = arith.constant 0 : i32
      %dma_wait3A_114 = arith.constant 0 : i32
      %dma_wait3A_115 = tpu.memref_slice %arg8[%dma_wait3A_113, %dma_wait3A_114] : memref<10240x24xf32, #tpu.memory_space<vmem_shared>> -> memref<10240x24xf32, #tpu.memory_space<vmem_shared>>
      tpu.wait_indirect_dma semaphore(%run_scoped3A_95 : memref<!tpu.dma_semaphore, #tpu.memory_space<semaphore_mem>>) src(%dma_wait3A_109 : memref<128x24xf32, #tpu.memory_space<vmem>>) dst(%dma_wait3A_115 : memref<10240x24xf32, #tpu.memory_space<vmem_shared>>)
      tpu.yield
    }) : () -> ()
    %barrier3A_88 = arith.constant 0 : index
    tpu.barrier barrier_id(%barrier3A_88)
    %scan3A_89 = arith.constant 0 : i32
    %scan3A_90 = arith.constant 0 : i32
    %scan3A_91 = arith.constant 10 : i32
    %scan3A_92 = arith.addi %scan3A_90, %scan3A_91 : i32
    %scan3A_93 = arith.constant 1 : i32
    scf.for %scan3A_95 = %scan3A_90 to %scan3A_92 step %scan3A_93  : i32 {
      %mul3A_96 = arith.constant 64 : i32
      %mul3A_97 = arith.muli %scan3A_95, %mul3A_96 : i32
      %add3A_98 = arith.addi %mul3A_0, %mul3A_97 : i32
      "tpu.region"() ({
        %run_scoped3A_108 = tpu.sem_alloc : memref<!tpu.dma_semaphore, #tpu.memory_space<semaphore_mem>>
        %dma_start3A_109 = arith.constant 0 : i32
        %dma_start3A_110 = tpu.memref_slice %arg8[%add3A_98, %dma_start3A_109] : memref<10240x24xf32, #tpu.memory_space<vmem_shared>> -> memref<64x24xf32, #tpu.memory_space<vmem_shared>>
        %dma_start3A_111 = arith.constant 0 : i32
        %dma_start3A_112 = tpu.memref_slice %arg8[%add3A_98, %dma_start3A_111] : memref<10240x24xf32, #tpu.memory_space<vmem_shared>> -> memref<64x24xf32, #tpu.memory_space<vmem_shared>>
        tpu.enqueue_dma source(%dma_start3A_112 : memref<64x24xf32, #tpu.memory_space<vmem_shared>>) target(%arg13 : memref<64x24xf32, #tpu.memory_space<vmem>>) target_semaphore(%run_scoped3A_108 : memref<!tpu.dma_semaphore, #tpu.memory_space<semaphore_mem>>)
        %dma_wait3A_113 = arith.constant 0 : i32
        %dma_wait3A_114 = tpu.memref_slice %arg8[%add3A_98, %dma_wait3A_113] : memref<10240x24xf32, #tpu.memory_space<vmem_shared>> -> memref<64x24xf32, #tpu.memory_space<vmem_shared>>
        %dma_wait3A_115 = arith.constant 0 : i32
        %dma_wait3A_116 = tpu.memref_slice %arg8[%add3A_98, %dma_wait3A_115] : memref<10240x24xf32, #tpu.memory_space<vmem_shared>> -> memref<64x24xf32, #tpu.memory_space<vmem_shared>>
        tpu.wait_dma2 semaphore(%run_scoped3A_108 : memref<!tpu.dma_semaphore, #tpu.memory_space<semaphore_mem>>) src(%dma_wait3A_116 : memref<64x24xf32, #tpu.memory_space<vmem_shared>>) dst(%arg13 : memref<64x24xf32, #tpu.memory_space<vmem>>)
        tpu.yield
      }) : () -> ()
      %scan3A_99 = arith.constant 0 : i32
      %scan3A_100 = arith.constant 0 : i32
      %scan3A_101 = arith.constant 64 : i32
      %scan3A_102 = arith.addi %scan3A_100, %scan3A_101 : i32
      %scan3A_103 = arith.constant 1 : i32
      scf.for %scan3A_108 = %scan3A_100 to %scan3A_102 step %scan3A_103  : i32 {
        %mul3A_109 = arith.constant 64 : i32
        %mul3A_110 = arith.muli %scan3A_95, %mul3A_109 : i32
        %add3A_111 = arith.addi %mul3A_110, %scan3A_108 : i32
        %get3A = arith.index_cast %add3A_111 : i32 to index
        %get3A_112 = arith.constant 0 : index
        %get3A_113 = tpu.vector_load %arg12[%get3A, %get3A_112] {strides = array<i32>} : memref<640x16xf32, #tpu.memory_space<vmem>>, vector<1x16xf32>,
        %get3A_114 = vector.shape_cast %get3A_113 : vector<1x16xf32> to vector<16xf32>
        %mul3A_115 = arith.constant 1.11111116 : f32
        %mul3A_116 = vector.broadcast %mul3A_115 : f32 to vector<16xf32>
        %mul3A_117 = arith.mulf %get3A_114, %mul3A_116 : vector<16xf32>
        %bitcast_convert_type3A = tpu.bitcast %mul3A_117 : vector<16xf32> -> vector<16xi32>
        %shift_right_logical3A = arith.constant 1 : i32
        %shift_right_logical3A_118 = vector.broadcast %shift_right_logical3A : i32 to vector<16xi32>
        %shift_right_logical3A_119 = arith.shrui %bitcast_convert_type3A, %shift_right_logical3A_118 : vector<16xi32>
        %sub3A = arith.constant 1597463007 : i32
        %sub3A_120 = vector.broadcast %sub3A : i32 to vector<16xi32>
        %sub3A_121 = arith.subi %sub3A_120, %shift_right_logical3A_119 : vector<16xi32>
        %bitcast_convert_type3A_122 = tpu.bitcast %sub3A_121 : vector<16xi32> -> vector<16xf32>
        %mul3A_123 = arith.constant 5.000000e-01 : f32
        %mul3A_124 = vector.broadcast %mul3A_123 : f32 to vector<16xf32>
        %mul3A_125 = arith.mulf %mul3A_124, %mul3A_117 : vector<16xf32>
        %mul3A_126 = arith.mulf %mul3A_125, %bitcast_convert_type3A_122 : vector<16xf32>
        %mul3A_127 = arith.mulf %mul3A_126, %bitcast_convert_type3A_122 : vector<16xf32>
        %sub3A_128 = arith.constant 1.500000e+00 : f32
        %sub3A_129 = vector.broadcast %sub3A_128 : f32 to vector<16xf32>
        %sub3A_130 = arith.subf %sub3A_129, %mul3A_127 : vector<16xf32>
        %mul3A_131 = arith.mulf %bitcast_convert_type3A_122, %sub3A_130 : vector<16xf32>
        %mul3A_132 = arith.constant 5.000000e-01 : f32
        %mul3A_133 = vector.broadcast %mul3A_132 : f32 to vector<16xf32>
        %mul3A_134 = arith.mulf %mul3A_133, %mul3A_117 : vector<16xf32>
        %mul3A_135 = arith.mulf %mul3A_134, %mul3A_131 : vector<16xf32>
        %mul3A_136 = arith.mulf %mul3A_135, %mul3A_131 : vector<16xf32>
        %sub3A_137 = arith.constant 1.500000e+00 : f32
        %sub3A_138 = vector.broadcast %sub3A_137 : f32 to vector<16xf32>
        %sub3A_139 = arith.subf %sub3A_138, %mul3A_136 : vector<16xf32>
        %mul3A_140 = arith.mulf %mul3A_131, %sub3A_139 : vector<16xf32>
        %mul3A_141 = arith.constant 5.000000e-01 : f32
        %mul3A_142 = vector.broadcast %mul3A_141 : f32 to vector<16xf32>
        %mul3A_143 = arith.mulf %mul3A_142, %mul3A_117 : vector<16xf32>
        %mul3A_144 = arith.mulf %mul3A_143, %mul3A_140 : vector<16xf32>
        %mul3A_145 = arith.mulf %mul3A_144, %mul3A_140 : vector<16xf32>
        %sub3A_146 = arith.constant 1.500000e+00 : f32
        %sub3A_147 = vector.broadcast %sub3A_146 : f32 to vector<16xf32>
        %sub3A_148 = arith.subf %sub3A_147, %mul3A_145 : vector<16xf32>
        %mul3A_149 = arith.mulf %mul3A_140, %sub3A_148 : vector<16xf32>
        %get3A_150 = arith.index_cast %scan3A_108 : i32 to index
        %get3A_151 = arith.constant 0 : index
        %get3A_152 = tpu.vector_load %arg13[%get3A_150, %get3A_151] {strides = array<i32>} : memref<64x24xf32, #tpu.memory_space<vmem>>, vector<1x16xf32>,
        %get3A_153 = vector.shape_cast %get3A_152 : vector<1x16xf32> to vector<16xf32>
        %get3A_154 = arith.index_cast %scan3A_108 : i32 to index
        %get3A_155 = arith.constant 8 : index
        %get3A_156 = tpu.vector_load %arg13[%get3A_154, %get3A_155] {strides = array<i32>} : memref<64x24xf32, #tpu.memory_space<vmem>>, vector<1x16xf32>,
        %get3A_157 = vector.shape_cast %get3A_156 : vector<1x16xf32> to vector<16xf32>
        %mul3A_158 = arith.mulf %get3A_114, %get3A_153 : vector<16xf32>
        %get3A_159 = arith.index_cast %add3A_111 : i32 to index
        %get3A_160 = arith.constant 0 : index
        %get3A_161 = tpu.vector_load %arg11[%get3A_159, %get3A_160] {strides = array<i32>} : memref<640x24xf32, #tpu.memory_space<vmem>>, vector<1x16xf32>,
        %get3A_162 = vector.shape_cast %get3A_161 : vector<1x16xf32> to vector<16xf32>
        %add3A_163 = arith.addf %mul3A_158, %get3A_162 : vector<16xf32>
        %mul3A_164 = arith.mulf %get3A_114, %get3A_157 : vector<16xf32>
        %get3A_165 = arith.index_cast %add3A_111 : i32 to index
        %get3A_166 = arith.constant 8 : index
        %get3A_167 = tpu.vector_load %arg11[%get3A_165, %get3A_166] {strides = array<i32>} : memref<640x24xf32, #tpu.memory_space<vmem>>, vector<1x16xf32>,
        %get3A_168 = vector.shape_cast %get3A_167 : vector<1x16xf32> to vector<16xf32>
        %add3A_169 = arith.addf %mul3A_164, %get3A_168 : vector<16xf32>
        %mul3A_170 = arith.mulf %add3A_163, %mul3A_149 : vector<16xf32>
        %swap3A = arith.index_cast %scan3A_108 : i32 to index
        %swap3A_171 = arith.constant 0 : index
        %swap3A_172 = tpu.vector_load %arg13[%swap3A, %swap3A_171] {strides = array<i32>} : memref<64x24xf32, #tpu.memory_space<vmem>>, vector<1x16xf32>,
        %swap3A_173 = vector.shape_cast %swap3A_172 : vector<1x16xf32> to vector<16xf32>
        %swap3A_174 = vector.shape_cast %mul3A_170 : vector<16xf32> to vector<1x16xf32>
        tpu.vector_store %arg13[%swap3A, %swap3A_171], %swap3A_174 {strides = array<i32>} : memref<64x24xf32, #tpu.memory_space<vmem>>, vector<1x16xf32>,
        %mul3A_175 = arith.mulf %add3A_169, %mul3A_149 : vector<16xf32>
        %swap3A_176 = arith.index_cast %scan3A_108 : i32 to index
        %swap3A_177 = arith.constant 8 : index
        %swap3A_178 = tpu.vector_load %arg13[%swap3A_176, %swap3A_177] {strides = array<i32>} : memref<64x24xf32, #tpu.memory_space<vmem>>, vector<1x16xf32>,
        %swap3A_179 = vector.shape_cast %swap3A_178 : vector<1x16xf32> to vector<16xf32>
        %swap3A_180 = vector.shape_cast %mul3A_175 : vector<16xf32> to vector<1x16xf32>
        tpu.vector_store %arg13[%swap3A_176, %swap3A_177], %swap3A_180 {strides = array<i32>} : memref<64x24xf32, #tpu.memory_space<vmem>>, vector<1x16xf32>,
      }
      %scan3A_104 = arith.constant 64 : i32
      %mul3A_105 = arith.constant 10240 : i32
      %mul3A_106 = arith.muli %arg0, %mul3A_105 : i32
      %add3A_107 = arith.addi %mul3A_106, %add3A_98 : i32
      "tpu.region"() ({
        %run_scoped3A_108 = tpu.sem_alloc : memref<!tpu.dma_semaphore, #tpu.memory_space<semaphore_mem>>
        %dma_start3A_109 = arith.constant 0 : i32
        %dma_start3A_110 = tpu.memref_slice %arg6[%add3A_107, %dma_start3A_109] : memref<20480x24xf32, #tpu.memory_space<hbm>> -> memref<64x24xf32, #tpu.memory_space<hbm>>
        %dma_start3A_111 = arith.constant 0 : i32
        %dma_start3A_112 = tpu.memref_slice %arg6[%add3A_107, %dma_start3A_111] : memref<20480x24xf32, #tpu.memory_space<hbm>> -> memref<64x24xf32, #tpu.memory_space<hbm>>
        tpu.enqueue_dma source(%arg13 : memref<64x24xf32, #tpu.memory_space<vmem>>) target(%dma_start3A_112 : memref<64x24xf32, #tpu.memory_space<hbm>>) target_semaphore(%run_scoped3A_108 : memref<!tpu.dma_semaphore, #tpu.memory_space<semaphore_mem>>)
        %dma_wait3A_113 = arith.constant 0 : i32
        %dma_wait3A_114 = tpu.memref_slice %arg6[%add3A_107, %dma_wait3A_113] : memref<20480x24xf32, #tpu.memory_space<hbm>> -> memref<64x24xf32, #tpu.memory_space<hbm>>
        %dma_wait3A_115 = arith.constant 0 : i32
        %dma_wait3A_116 = tpu.memref_slice %arg6[%add3A_107, %dma_wait3A_115] : memref<20480x24xf32, #tpu.memory_space<hbm>> -> memref<64x24xf32, #tpu.memory_space<hbm>>
        tpu.wait_dma2 semaphore(%run_scoped3A_108 : memref<!tpu.dma_semaphore, #tpu.memory_space<semaphore_mem>>) src(%arg13 : memref<64x24xf32, #tpu.memory_space<vmem>>) dst(%dma_wait3A_116 : memref<64x24xf32, #tpu.memory_space<hbm>>)
        tpu.yield
      }) : () -> ()
    }
    %scan3A_94 = arith.constant 10 : i32
    return
  }
}

#map = affine_map<(d0, d1) -> (0, 0, 0)>
#map1 = affine_map<(d0, d1) -> (0, 0)>
module attributes {stable_mosaic.version = 14 : i64} {
  func.func @_deg_body(%arg0: i32, %arg1: i32, %arg2: memref<16x160x128xi32, #tpu.memory_space<hbm>>, %arg3: memref<20480x16xf32, #tpu.memory_space<hbm>>, %arg4: memref<10240x16xf32, #tpu.memory_space<vmem_shared>>, %arg5: memref<80x128xi32, #tpu.memory_space<vmem>>, %arg6: memref<128x16xf32, #tpu.memory_space<vmem>>, %arg7: memref<64x16xf32, #tpu.memory_space<vmem>>) attributes {dimension_semantics = [#tpu.dimension_semantics<core_parallel>, #tpu.dimension_semantics<subcore_parallel>], iteration_bounds = array<i64: 2, 16>, scalar_prefetch = 0 : i64, scratch_operands = 4 : i64, tpu.core_type = #tpu.core_type<sc_vector_subcore>, window_params = [{transform_indices = #map}, {transform_indices = #map1}]} {
    %mul3A = arith.constant 640 : i32
    %mul3A_0 = arith.muli %arg1, %mul3A : i32
    %mul3A_1 = arith.constant 80 : i32
    %mul3A_2 = arith.muli %arg0, %mul3A_1 : i32
    "tpu.region"() ({
      %run_scoped3A = tpu.sem_alloc : memref<!tpu.dma_semaphore, #tpu.memory_space<semaphore_mem>>
      %dma_start3A = arith.constant 0 : i32
      %dma_start3A_36 = tpu.memref_slice %arg2[%arg1, %mul3A_2, %dma_start3A] : memref<16x160x128xi32, #tpu.memory_space<hbm>> -> memref<1x80x128xi32, #tpu.memory_space<hbm>>
      %dma_start3A_37 = tpu.memref_squeeze %dma_start3A_36 : memref<1x80x128xi32, #tpu.memory_space<hbm>> -> memref<80x128xi32, #tpu.memory_space<hbm>>
      %dma_start3A_38 = arith.constant 0 : i32
      %dma_start3A_39 = tpu.memref_slice %arg2[%arg1, %mul3A_2, %dma_start3A_38] : memref<16x160x128xi32, #tpu.memory_space<hbm>> -> memref<1x80x128xi32, #tpu.memory_space<hbm>>
      %dma_start3A_40 = tpu.memref_squeeze %dma_start3A_39 : memref<1x80x128xi32, #tpu.memory_space<hbm>> -> memref<80x128xi32, #tpu.memory_space<hbm>>
      tpu.enqueue_dma source(%dma_start3A_40 : memref<80x128xi32, #tpu.memory_space<hbm>>) target(%arg5 : memref<80x128xi32, #tpu.memory_space<vmem>>) target_semaphore(%run_scoped3A : memref<!tpu.dma_semaphore, #tpu.memory_space<semaphore_mem>>)
      %dma_wait3A = arith.constant 0 : i32
      %dma_wait3A_41 = tpu.memref_slice %arg2[%arg1, %mul3A_2, %dma_wait3A] : memref<16x160x128xi32, #tpu.memory_space<hbm>> -> memref<1x80x128xi32, #tpu.memory_space<hbm>>
      %dma_wait3A_42 = tpu.memref_squeeze %dma_wait3A_41 : memref<1x80x128xi32, #tpu.memory_space<hbm>> -> memref<80x128xi32, #tpu.memory_space<hbm>>
      %dma_wait3A_43 = arith.constant 0 : i32
      %dma_wait3A_44 = tpu.memref_slice %arg2[%arg1, %mul3A_2, %dma_wait3A_43] : memref<16x160x128xi32, #tpu.memory_space<hbm>> -> memref<1x80x128xi32, #tpu.memory_space<hbm>>
      %dma_wait3A_45 = tpu.memref_squeeze %dma_wait3A_44 : memref<1x80x128xi32, #tpu.memory_space<hbm>> -> memref<80x128xi32, #tpu.memory_space<hbm>>
      tpu.wait_dma2 semaphore(%run_scoped3A : memref<!tpu.dma_semaphore, #tpu.memory_space<semaphore_mem>>) src(%dma_wait3A_45 : memref<80x128xi32, #tpu.memory_space<hbm>>) dst(%arg5 : memref<80x128xi32, #tpu.memory_space<vmem>>)
      tpu.yield
    }) : () -> ()
    %broadcast_in_dim3A = arith.constant 0.000000e+00 : f32
    %broadcast_in_dim3A_3 = vector.broadcast %broadcast_in_dim3A : f32 to vector<16xf32>
    %broadcast_in_dim3A_4 = arith.constant 1.000000e+00 : f32
    %broadcast_in_dim3A_5 = vector.broadcast %broadcast_in_dim3A_4 : f32 to vector<16xf32>
    %scan3A = arith.constant 0 : i32
    %scan3A_6 = arith.constant 0 : i32
    %scan3A_7 = arith.constant 64 : i32
    %scan3A_8 = arith.addi %scan3A_6, %scan3A_7 : i32
    %scan3A_9 = arith.constant 1 : i32
    scf.for %scan3A_36 = %scan3A_6 to %scan3A_8 step %scan3A_9  : i32 {
      %swap3A = arith.index_cast %scan3A_36 : i32 to index
      %swap3A_37 = arith.constant 0 : index
      %swap3A_38 = tpu.vector_load %arg7[%swap3A, %swap3A_37] {strides = array<i32>} : memref<64x16xf32, #tpu.memory_space<vmem>>, vector<1x16xf32>,
      %swap3A_39 = vector.shape_cast %swap3A_38 : vector<1x16xf32> to vector<16xf32>
      %swap3A_40 = vector.shape_cast %broadcast_in_dim3A_3 : vector<16xf32> to vector<1x16xf32>
      tpu.vector_store %arg7[%swap3A, %swap3A_37], %swap3A_40 {strides = array<i32>} : memref<64x16xf32, #tpu.memory_space<vmem>>, vector<1x16xf32>,
    }
    %scan3A_10 = arith.constant 64 : i32
    %scan3A_11 = arith.constant 0 : i32
    %scan3A_12 = arith.constant 0 : i32
    %scan3A_13 = arith.constant 128 : i32
    %scan3A_14 = arith.addi %scan3A_12, %scan3A_13 : i32
    %scan3A_15 = arith.constant 1 : i32
    scf.for %scan3A_36 = %scan3A_12 to %scan3A_14 step %scan3A_15  : i32 {
      %swap3A = arith.index_cast %scan3A_36 : i32 to index
      %swap3A_37 = arith.constant 0 : index
      %swap3A_38 = tpu.vector_load %arg6[%swap3A, %swap3A_37] {strides = array<i32>} : memref<128x16xf32, #tpu.memory_space<vmem>>, vector<1x16xf32>,
      %swap3A_39 = vector.shape_cast %swap3A_38 : vector<1x16xf32> to vector<16xf32>
      %swap3A_40 = vector.shape_cast %broadcast_in_dim3A_5 : vector<16xf32> to vector<1x16xf32>
      tpu.vector_store %arg6[%swap3A, %swap3A_37], %swap3A_40 {strides = array<i32>} : memref<128x16xf32, #tpu.memory_space<vmem>>, vector<1x16xf32>,
    }
    %scan3A_16 = arith.constant 128 : i32
    %scan3A_17 = arith.constant 0 : i32
    %scan3A_18 = arith.constant 0 : i32
    %scan3A_19 = arith.constant 10 : i32
    %scan3A_20 = arith.addi %scan3A_18, %scan3A_19 : i32
    %scan3A_21 = arith.constant 1 : i32
    scf.for %scan3A_36 = %scan3A_18 to %scan3A_20 step %scan3A_21  : i32 {
      %mul3A_37 = arith.constant 64 : i32
      %mul3A_38 = arith.muli %scan3A_36, %mul3A_37 : i32
      %add3A = arith.addi %mul3A_0, %mul3A_38 : i32
      "tpu.region"() ({
        %run_scoped3A = tpu.sem_alloc : memref<!tpu.dma_semaphore, #tpu.memory_space<semaphore_mem>>
        %dma_start3A = arith.constant 0 : i32
        %dma_start3A_39 = tpu.memref_slice %arg4[%add3A, %dma_start3A] : memref<10240x16xf32, #tpu.memory_space<vmem_shared>> -> memref<64x16xf32, #tpu.memory_space<vmem_shared>>
        %dma_start3A_40 = arith.constant 0 : i32
        %dma_start3A_41 = tpu.memref_slice %arg4[%add3A, %dma_start3A_40] : memref<10240x16xf32, #tpu.memory_space<vmem_shared>> -> memref<64x16xf32, #tpu.memory_space<vmem_shared>>
        tpu.enqueue_dma source(%arg7 : memref<64x16xf32, #tpu.memory_space<vmem>>) target(%dma_start3A_41 : memref<64x16xf32, #tpu.memory_space<vmem_shared>>) target_semaphore(%run_scoped3A : memref<!tpu.dma_semaphore, #tpu.memory_space<semaphore_mem>>)
        %dma_wait3A = arith.constant 0 : i32
        %dma_wait3A_42 = tpu.memref_slice %arg4[%add3A, %dma_wait3A] : memref<10240x16xf32, #tpu.memory_space<vmem_shared>> -> memref<64x16xf32, #tpu.memory_space<vmem_shared>>
        %dma_wait3A_43 = arith.constant 0 : i32
        %dma_wait3A_44 = tpu.memref_slice %arg4[%add3A, %dma_wait3A_43] : memref<10240x16xf32, #tpu.memory_space<vmem_shared>> -> memref<64x16xf32, #tpu.memory_space<vmem_shared>>
        tpu.wait_dma2 semaphore(%run_scoped3A : memref<!tpu.dma_semaphore, #tpu.memory_space<semaphore_mem>>) src(%arg7 : memref<64x16xf32, #tpu.memory_space<vmem>>) dst(%dma_wait3A_44 : memref<64x16xf32, #tpu.memory_space<vmem_shared>>)
        tpu.yield
      }) : () -> ()
    }
    %scan3A_22 = arith.constant 10 : i32
    %barrier3A = arith.constant 0 : index
    tpu.barrier barrier_id(%barrier3A)
    %scan3A_23 = arith.constant 0 : i32
    %scan3A_24 = arith.constant 0 : i32
    %scan3A_25 = arith.constant 80 : i32
    %scan3A_26 = arith.addi %scan3A_24, %scan3A_25 : i32
    %scan3A_27 = arith.constant 1 : i32
    scf.for %scan3A_36 = %scan3A_24 to %scan3A_26 step %scan3A_27  : i32 {
      "tpu.region"() ({
        %run_scoped3A = tpu.sem_alloc : memref<!tpu.dma_semaphore, #tpu.memory_space<semaphore_mem>>
        %dma_start3A = arith.constant 0 : i32
        %dma_start3A_37 = tpu.memref_slice %arg5[%scan3A_36, %dma_start3A] : memref<80x128xi32, #tpu.memory_space<vmem>> -> memref<1x128xi32, #tpu.memory_space<vmem>>
        %dma_start3A_38 = tpu.memref_squeeze %dma_start3A_37 : memref<1x128xi32, #tpu.memory_space<vmem>> -> memref<128xi32, #tpu.memory_space<vmem>>
        %dma_start3A_39 = arith.constant 0 : i32
        %dma_start3A_40 = arith.constant 0 : i32
        %dma_start3A_41 = tpu.memref_slice %arg4[%dma_start3A_39, %dma_start3A_40] : memref<10240x16xf32, #tpu.memory_space<vmem_shared>> -> memref<10240x16xf32, #tpu.memory_space<vmem_shared>>
        tpu.enqueue_indirect_dma source(%arg6 : memref<128x16xf32, #tpu.memory_space<vmem>>) target(%dma_start3A_41 : memref<10240x16xf32, #tpu.memory_space<vmem_shared>>) offsets(%dma_start3A_38 : memref<128xi32, #tpu.memory_space<vmem>>) semaphore(%run_scoped3A : memref<!tpu.dma_semaphore, #tpu.memory_space<semaphore_mem>>) {add = true}
        %dma_wait3A = arith.constant 0 : i32
        %dma_wait3A_42 = tpu.memref_slice %arg5[%scan3A_36, %dma_wait3A] : memref<80x128xi32, #tpu.memory_space<vmem>> -> memref<1x128xi32, #tpu.memory_space<vmem>>
        %dma_wait3A_43 = tpu.memref_squeeze %dma_wait3A_42 : memref<1x128xi32, #tpu.memory_space<vmem>> -> memref<128xi32, #tpu.memory_space<vmem>>
        %dma_wait3A_44 = arith.constant 0 : i32
        %dma_wait3A_45 = arith.constant 0 : i32
        %dma_wait3A_46 = tpu.memref_slice %arg4[%dma_wait3A_44, %dma_wait3A_45] : memref<10240x16xf32, #tpu.memory_space<vmem_shared>> -> memref<10240x16xf32, #tpu.memory_space<vmem_shared>>
        tpu.wait_indirect_dma semaphore(%run_scoped3A : memref<!tpu.dma_semaphore, #tpu.memory_space<semaphore_mem>>) src(%arg6 : memref<128x16xf32, #tpu.memory_space<vmem>>) dst(%dma_wait3A_46 : memref<10240x16xf32, #tpu.memory_space<vmem_shared>>)
        tpu.yield
      }) : () -> ()
    }
    %scan3A_28 = arith.constant 80 : i32
    %barrier3A_29 = arith.constant 0 : index
    tpu.barrier barrier_id(%barrier3A_29)
    %scan3A_30 = arith.constant 0 : i32
    %scan3A_31 = arith.constant 0 : i32
    %scan3A_32 = arith.constant 10 : i32
    %scan3A_33 = arith.addi %scan3A_31, %scan3A_32 : i32
    %scan3A_34 = arith.constant 1 : i32
    scf.for %scan3A_36 = %scan3A_31 to %scan3A_33 step %scan3A_34  : i32 {
      %mul3A_37 = arith.constant 64 : i32
      %mul3A_38 = arith.muli %scan3A_36, %mul3A_37 : i32
      %add3A = arith.addi %mul3A_0, %mul3A_38 : i32
      %mul3A_39 = arith.constant 10240 : i32
      %mul3A_40 = arith.muli %arg0, %mul3A_39 : i32
      %add3A_41 = arith.addi %mul3A_40, %mul3A_0 : i32
      %mul3A_42 = arith.constant 64 : i32
      %mul3A_43 = arith.muli %scan3A_36, %mul3A_42 : i32
      %add3A_44 = arith.addi %add3A_41, %mul3A_43 : i32
      "tpu.region"() ({
        %run_scoped3A = tpu.sem_alloc : memref<!tpu.dma_semaphore, #tpu.memory_space<semaphore_mem>>
        %dma_start3A = arith.constant 0 : i32
        %dma_start3A_45 = tpu.memref_slice %arg3[%add3A_44, %dma_start3A] : memref<20480x16xf32, #tpu.memory_space<hbm>> -> memref<64x16xf32, #tpu.memory_space<hbm>>
        %dma_start3A_46 = arith.constant 0 : i32
        %dma_start3A_47 = tpu.memref_slice %arg4[%add3A, %dma_start3A_46] : memref<10240x16xf32, #tpu.memory_space<vmem_shared>> -> memref<64x16xf32, #tpu.memory_space<vmem_shared>>
        tpu.enqueue_dma source(%dma_start3A_47 : memref<64x16xf32, #tpu.memory_space<vmem_shared>>) target(%dma_start3A_45 : memref<64x16xf32, #tpu.memory_space<hbm>>) target_semaphore(%run_scoped3A : memref<!tpu.dma_semaphore, #tpu.memory_space<semaphore_mem>>)
        %dma_wait3A = arith.constant 0 : i32
        %dma_wait3A_48 = tpu.memref_slice %arg3[%add3A_44, %dma_wait3A] : memref<20480x16xf32, #tpu.memory_space<hbm>> -> memref<64x16xf32, #tpu.memory_space<hbm>>
        %dma_wait3A_49 = arith.constant 0 : i32
        %dma_wait3A_50 = tpu.memref_slice %arg4[%add3A, %dma_wait3A_49] : memref<10240x16xf32, #tpu.memory_space<vmem_shared>> -> memref<64x16xf32, #tpu.memory_space<vmem_shared>>
        tpu.wait_dma2 semaphore(%run_scoped3A : memref<!tpu.dma_semaphore, #tpu.memory_space<semaphore_mem>>) src(%dma_wait3A_50 : memref<64x16xf32, #tpu.memory_space<vmem_shared>>) dst(%dma_wait3A_48 : memref<64x16xf32, #tpu.memory_space<hbm>>)
        tpu.yield
      }) : () -> ()
    }
    %scan3A_35 = arith.constant 10 : i32
    return
  }
}

module attributes {stable_mosaic.version = 14 : i64} {
  func.func @_mlp_body(%arg0: i32, %arg1: memref<1024x128xf32, #tpu.memory_space<vmem>>, %arg2: memref<128x128xf32, #tpu.memory_space<vmem>>, %arg3: memref<1x128xf32, #tpu.memory_space<vmem>>, %arg4: memref<128x128xf32, #tpu.memory_space<vmem>>, %arg5: memref<1x128xf32, #tpu.memory_space<vmem>>, %arg6: memref<128x48xf32, #tpu.memory_space<vmem>>, %arg7: memref<1x48xf32, #tpu.memory_space<vmem>>, %arg8: memref<1024x48xf32, #tpu.memory_space<vmem>>) attributes {dimension_semantics = [#tpu.dimension_semantics<arbitrary>], iteration_bounds = array<i64: 10>, scalar_prefetch = 0 : i64, scratch_operands = 0 : i64, tpu.core_type = #tpu.core_type<tc>, window_params = [{transform_indices = @transform_0, window_bounds = array<i64: 1024, 128>}, {pipeline_mode = #tpu.pipeline_mode<synchronous>, transform_indices = @transform_1, window_bounds = array<i64: 128, 128>}, {pipeline_mode = #tpu.pipeline_mode<synchronous>, transform_indices = @transform_2, window_bounds = array<i64: 1, 128>}, {pipeline_mode = #tpu.pipeline_mode<synchronous>, transform_indices = @transform_3, window_bounds = array<i64: 128, 128>}, {pipeline_mode = #tpu.pipeline_mode<synchronous>, transform_indices = @transform_4, window_bounds = array<i64: 1, 128>}, {pipeline_mode = #tpu.pipeline_mode<synchronous>, transform_indices = @transform_5, window_bounds = array<i64: 128, 48>}, {pipeline_mode = #tpu.pipeline_mode<synchronous>, transform_indices = @transform_6, window_bounds = array<i64: 1, 48>}, {transform_indices = @transform_7, window_bounds = array<i64: 1024, 48>}]} {
    %get3A = arith.constant 0 : index
    %get3A_0 = arith.constant 0 : index
    %get3A_1 = vector.load %arg1[%get3A, %get3A_0] : memref<1024x128xf32, #tpu.memory_space<vmem>>, vector<1024x128xf32>
    %get3A_2 = arith.constant 0 : index
    %get3A_3 = arith.constant 0 : index
    %get3A_4 = vector.load %arg2[%get3A_2, %get3A_3] : memref<128x128xf32, #tpu.memory_space<vmem>>, vector<128x128xf32>
    %dot_general3A = arith.constant dense<0.000000e+00> : vector<1024x128xf32>
    %dot_general3A_5 = tpu.matmul %get3A_1, %get3A_4, %dot_general3A {dimension_numbers = #tpu.dot_dimension_numbers<[1], [0], [0], [1], [0, 0, 1, 1], [], []>, transpose_lhs_hint = false} : vector<1024x128xf32>, vector<128x128xf32>, vector<1024x128xf32> -> vector<1024x128xf32>
    %get3A_6 = arith.constant 0 : index
    %get3A_7 = arith.constant 0 : index
    %get3A_8 = vector.load %arg3[%get3A_6, %get3A_7] : memref<1x128xf32, #tpu.memory_space<vmem>>, vector<1x128xf32>
    %add3A = vector.broadcast %get3A_8 : vector<1x128xf32> to vector<1024x128xf32>
    %add3A_9 = arith.addf %dot_general3A_5, %add3A : vector<1024x128xf32>
    %max3A = arith.constant 0.000000e+00 : f32
    %max3A_10 = vector.broadcast %max3A : f32 to vector<1024x128xf32>
    %max3A_11 = arith.maximumf %add3A_9, %max3A_10 : vector<1024x128xf32>
    %get3A_12 = arith.constant 0 : index
    %get3A_13 = arith.constant 0 : index
    %get3A_14 = vector.load %arg4[%get3A_12, %get3A_13] : memref<128x128xf32, #tpu.memory_space<vmem>>, vector<128x128xf32>
    %dot_general3A_15 = arith.constant dense<0.000000e+00> : vector<1024x128xf32>
    %dot_general3A_16 = tpu.matmul %max3A_11, %get3A_14, %dot_general3A_15 {dimension_numbers = #tpu.dot_dimension_numbers<[1], [0], [0], [1], [0, 0, 1, 1], [], []>, transpose_lhs_hint = false} : vector<1024x128xf32>, vector<128x128xf32>, vector<1024x128xf32> -> vector<1024x128xf32>
    %get3A_17 = arith.constant 0 : index
    %get3A_18 = arith.constant 0 : index
    %get3A_19 = vector.load %arg5[%get3A_17, %get3A_18] : memref<1x128xf32, #tpu.memory_space<vmem>>, vector<1x128xf32>
    %add3A_20 = vector.broadcast %get3A_19 : vector<1x128xf32> to vector<1024x128xf32>
    %add3A_21 = arith.addf %dot_general3A_16, %add3A_20 : vector<1024x128xf32>
    %max3A_22 = arith.constant 0.000000e+00 : f32
    %max3A_23 = vector.broadcast %max3A_22 : f32 to vector<1024x128xf32>
    %max3A_24 = arith.maximumf %add3A_21, %max3A_23 : vector<1024x128xf32>
    %get3A_25 = arith.constant 0 : index
    %get3A_26 = arith.constant 0 : index
    %get3A_27 = vector.load %arg6[%get3A_25, %get3A_26] : memref<128x48xf32, #tpu.memory_space<vmem>>, vector<128x48xf32>
    %dot_general3A_28 = arith.constant dense<0.000000e+00> : vector<1024x48xf32>
    %dot_general3A_29 = tpu.matmul %max3A_24, %get3A_27, %dot_general3A_28 {dimension_numbers = #tpu.dot_dimension_numbers<[1], [0], [0], [1], [0, 0, 1, 1], [], []>, transpose_lhs_hint = false} : vector<1024x128xf32>, vector<128x48xf32>, vector<1024x48xf32> -> vector<1024x48xf32>
    %get3A_30 = arith.constant 0 : index
    %get3A_31 = arith.constant 0 : index
    %get3A_32 = vector.load %arg7[%get3A_30, %get3A_31] : memref<1x48xf32, #tpu.memory_space<vmem>>, vector<1x48xf32>
    %add3A_33 = vector.broadcast %get3A_32 : vector<1x48xf32> to vector<1024x48xf32>
    %add3A_34 = arith.addf %dot_general3A_29, %add3A_33 : vector<1024x48xf32>
    %swap3A = arith.constant 0 : index
    %swap3A_35 = arith.constant 0 : index
    %swap3A_36 = vector.load %arg8[%swap3A, %swap3A_35] : memref<1024x48xf32, #tpu.memory_space<vmem>>, vector<1024x48xf32>
    tpu.vector_store %arg8[%swap3A, %swap3A_35], %add3A_34 {strides = array<i32>} : memref<1024x48xf32, #tpu.memory_space<vmem>>, vector<1024x48xf32>,
    return
  }
  func.func @transform_0(%arg0: i32) -> (i32, i32) {
    %c0_i32 = arith.constant 0 : i32
    %c0_i32_0 = arith.constant 0 : i32
    return %arg0, %c0_i32 : i32, i32
  }
  func.func @transform_1(%arg0: i32) -> (i32, i32) {
    %c0_i32 = arith.constant 0 : i32
    %c0_i32_0 = arith.constant 0 : i32
    %c0_i32_1 = arith.constant 0 : i32
    return %c0_i32, %c0_i32_0 : i32, i32
  }
  func.func @transform_2(%arg0: i32) -> (i32, i32) {
    %c0_i32 = arith.constant 0 : i32
    %c0_i32_0 = arith.constant 0 : i32
    %c0_i32_1 = arith.constant 0 : i32
    return %c0_i32, %c0_i32_0 : i32, i32
  }
  func.func @transform_3(%arg0: i32) -> (i32, i32) {
    %c0_i32 = arith.constant 0 : i32
    %c0_i32_0 = arith.constant 0 : i32
    %c0_i32_1 = arith.constant 0 : i32
    return %c0_i32, %c0_i32_0 : i32, i32
  }
  func.func @transform_4(%arg0: i32) -> (i32, i32) {
    %c0_i32 = arith.constant 0 : i32
    %c0_i32_0 = arith.constant 0 : i32
    %c0_i32_1 = arith.constant 0 : i32
    return %c0_i32, %c0_i32_0 : i32, i32
  }
  func.func @transform_5(%arg0: i32) -> (i32, i32) {
    %c0_i32 = arith.constant 0 : i32
    %c0_i32_0 = arith.constant 0 : i32
    %c0_i32_1 = arith.constant 0 : i32
    return %c0_i32, %c0_i32_0 : i32, i32
  }
  func.func @transform_6(%arg0: i32) -> (i32, i32) {
    %c0_i32 = arith.constant 0 : i32
    %c0_i32_0 = arith.constant 0 : i32
    %c0_i32_1 = arith.constant 0 : i32
    return %c0_i32, %c0_i32_0 : i32, i32
  }
  func.func @transform_7(%arg0: i32) -> (i32, i32) {
    %c0_i32 = arith.constant 0 : i32
    %c0_i32_0 = arith.constant 0 : i32
    return %arg0, %c0_i32 : i32, i32
  }
}

</mosaic_0001>

<sc_bundles>
// kernel: kernel.5.cloned.1.call-start
scs
__scs_entry_jumppad:
0x0: {  	(pc) =	sbr.rel $0x88, $3  }
0x1: {  	(tag) =	ssettag $0x0;
	lr =	simm.s32 $0x1  }
0x2: {  	[smem:$0x3F99] =	sst lr;
	_ =	strace $0xD0000000  }
0x3: {  	_ = 	snop  }
0x4: {  	_ = 	snop  }
0x5: {  	_ = 	snop  }
0x6: {  	_ = 	snop  }
0x7: {  	_ = 	snop  }
__scs_overlays_trampoline_lowered:
0x8: {  	[smem:$0x3FA8] =	sst s0  }
0x9: {  	[smem:$0x3FA9] =	sst s1  }
0xa: {  	[smem:$0x3FAA] =	sst s2  }
0xb: {  	[smem:$0x3FAB] =	sst s3  }
0xc: {  	[smem:$0x3FAC] =	sst s4  }
0xd: {  	[smem:$0x3FAD] =	sst s5  }
0xe: {  	[smem:$0x3FAE] =	sst s6  }
0xf: {  	[smem:$0x3FAF] =	sst s7  }
0x10: {  	[smem:$0x3FB0] =	sst s8  }
0x11: {  	[smem:$0x3FB1] =	sst s9;
	s0 =	simm.s32 @!p0 $0x0  }
0x12: {  	s1 =	sld [smem:$0x3F97];
	s0 =	simm.s32 @p0 $0x1  }
0x13: {  	[smem:$0x3FB2] =	sst s0;
	s0 =	simm.s32 @!p1 $0x0  }
0x14: {  	s2 =	sld [smem:$0x3F96];
	s0 =	simm.s32 @p1 $0x1  }
0x15: {  	[smem:$0x3FB3] =	sst s0;
	s0 =	simm.s32 @!p2 $0x0  }
0x16: {  	s3 =	sld [smem:$0x3FDB];
	s0 =	simm.s32 @p2 $0x1  }
0x17: {  	s4 =	simm.s32 $0x1BF5;
	[smem:$0x3FB5] =	sst s0  }
0x18: {  	s0 =	sld [smem:$0x3F98];
	_ =	swait.ge [sflag:s4], $0x0  }
0x19: {  	s7 =	sld [smem:$0x3F99]  }
0x1a: {  	s8 =	sadd.s32 $0xFFFFE003, lr  }
0x1b: {  	s9 =	sadd.s32 $0xFFFFFEF7, lr;
	s5 =	simm.s32 $0xFFFFFFFF;
	p2 =	slt.u32 s8, $0xFFFFF086  }
0x1c: {  	p1 =	slt.u32 s9, $0xF7A;
	s5 =	simm.s32 @!p2 $0x0  }
0x1d: {  	s5 =	simm.s32 @p1 $0x1;
	p0 =	seq.s32 s7, s2  }
0x1e: {  	s7 =	smul.u32 @!p0 $0xF7A, s2;
	p2 =	seq.s32 @!p0 s5, $0x0  }
0x1f: {  	s9 =	smul.u32 $0xF7A, s1;
	s8 =	simm.s32 @!p0 $0x1BF5;
	p2 =	por !p2, p0  }
0x20: {  	[sflag:s8] =	ssyncset.s32 @!p0 $0xFFFFF086;
	s6 =	sadd.s32 @!p0 s3, s7;
	s7 =	simm.s32 @!p0 $0x108  }
0x21: {  	s3 =	sadd.s32 s3, s9;
	s6 =	sadd.s32 @!p0 $0x88, s6;
	s7 =	simm.s32 @p2 $0x1082  }
0x22: {  	[simem:s7], [sflag:s8] =	dma.local @!p0 [hbm:s6], $0xF7A  }
0x23: {  	s9 =	sor.u32 $0xD0000000, s2;
	s6 =	simm.s32 $0x108;
	_ =	swait.ge @!p0 [sflag:s8], $0x0  }
0x24: {  	s3 =	sadd.s32 $0x88, s3;
	s6 =	simm.s32 @!p1 $0x1082;
	[sflag:s4] =	ssyncset.s32 $0xFFFFF086  }
0x25: {  	[simem:s6], [sflag:s4] =	dma.local [hbm:s3], $0xF7A  }
0x26: {  	[smem:$0x3F99] =	sst s1;
	(tag) =	ssettag s2;
	_ =	strace s9  }
0x27: {  	s1 =	sld [smem:$0x3FA9]  }
0x28: {  	s2 =	sld [smem:$0x3FAA]  }
0x29: {  	s4 =	sld [smem:$0x3FAC]  }
0x2a: {  	p0 =	seq.s32 s5, $0x0;
	s5 =	sld [smem:$0x3FAD]  }
0x2b: {  	s6 =	sld [smem:$0x3FAE]  }
0x2c: {  	s7 =	sld [smem:$0x3FAF]  }
0x2d: {  	s3 =	simm.s32 $0x108;
	s8 =	sld [smem:$0x3FB0]  }
0x2e: {  	s3 =	simm.s32 @!p0 $0x1082;
	s9 =	sld [smem:$0x3FB1]  }
0x2f: {  	lr =	sadd.s32 s0, s3;
	s0 =	sld [smem:$0x3FA8]  }
0x30: {  	s3 =	sld [smem:$0x3FAB]  }
0x31: {  	[smem:$0x3FB4] =	sst s10  }
0x32: {  	s10 =	sld [smem:$0x3FB2];
	_ =	sdelay $0x3  }
0x33: {  	p0 =	seq.s32 s10, $0x1;
	s10 =	sld [smem:$0x3FB4];
	_ =	sdelay $0x3  }
0x34: {  	[smem:$0x3FB4] =	sst s10  }
0x35: {  	s10 =	sld [smem:$0x3FB3];
	_ =	sdelay $0x3  }
0x36: {  	p1 =	seq.s32 s10, $0x1;
	s10 =	sld [smem:$0x3FB4];
	_ =	sdelay $0x3  }
0x37: {  	[smem:$0x3FB4] =	sst s10  }
0x38: {  	s10 =	sld [smem:$0x3FB5]  }
0x39: {  	_ = 	snop;
	(pc) =	sbr.ind lr, $3  }
0x3a: {  	_ = 	snop  }
0x3b: {  	_ = 	snop  }
0x3c: {  	p2 =	seq.s32 s10, $0x1;
	s10 =	sld [smem:$0x3FB4]  }
0x3d: {  	_ =	shalt  }
0x3e: {  	_ =	shalt  }
0x3f: {  	_ =	shalt  }
0x40: {  	_ =	shalt  }
0x41: {  	_ =	shalt  }
0x42: {  	_ =	shalt  }
0x43: {  	_ =	shalt  }
0x44: {  	_ =	shalt  }
0x45: {  	_ =	shalt  }
0x46: {  	_ =	shalt  }
0x47: {  	_ =	shalt  }
0x48: {  	_ =	shalt  }
0x49: {  	_ =	shalt  }
0x4a: {  	_ =	shalt  }
0x4b: {  	_ =	shalt  }
0x4c: {  	_ =	shalt  }
0x4d: {  	_ =	shalt  }
0x4e: {  	_ =	shalt  }
0x4f: {  	_ =	shalt  }
0x50: {  	_ =	shalt  }
0x51: {  	_ =	shalt  }
0x52: {  	_ =	shalt  }
0x53: {  	_ =	shalt  }
0x54: {  	_ =	shalt  }
0x55: {  	_ =	shalt  }
0x56: {  	_ =	shalt  }
0x57: {  	_ =	shalt  }
0x58: {  	_ =	shalt  }
0x59: {  	_ =	shalt  }
0x5a: {  	_ =	shalt  }
0x5b: {  	_ =	shalt  }
0x5c: {  	_ =	shalt  }
0x5d: {  	_ =	shalt  }
0x5e: {  	_ =	shalt  }
0x5f: {  	_ =	shalt  }
0x60: {  	_ =	shalt  }
0x61: {  	_ =	shalt  }
0x62: {  	_ =	shalt  }
0x63: {  	_ =	shalt  }
0x64: {  	_ =	shalt  }
0x65: {  	_ =	shalt  }
0x66: {  	_ =	shalt  }
0x67: {  	_ =	shalt  }
0x68: {  	_ =	shalt  }
0x69: {  	_ =	shalt  }
0x6a: {  	_ =	shalt  }
0x6b: {  	_ =	shalt  }
0x6c: {  	_ =	shalt  }
0x6d: {  	_ =	shalt  }
0x6e: {  	_ =	shalt  }
0x6f: {  	_ =	shalt  }
0x70: {  	_ =	shalt  }
0x71: {  	_ =	shalt  }
0x72: {  	_ =	shalt  }
0x73: {  	_ =	shalt  }
0x74: {  	_ =	shalt  }
0x75: {  	_ =	shalt  }
0x76: {  	_ =	shalt  }
0x77: {  	_ =	shalt  }
0x78: {  	_ =	shalt  }
0x79: {  	_ =	shalt  }
0x7a: {  	_ =	shalt  }
0x7b: {  	_ =	shalt  }
0x7c: {  	_ =	shalt  }
0x7d: {  	_ =	shalt  }
0x7e: {  	_ =	shalt  }
0x7f: {  	_ =	shalt  }
0x80: {  	_ =	shalt  }
0x81: {  	_ =	shalt  }
0x82: {  	_ =	shalt  }
0x83: {  	_ =	shalt  }
0x84: {  	_ =	shalt  }
0x85: {  	_ =	shalt  }
0x86: {  	_ =	shalt  }
0x87: {  	_ =	shalt  }
.Lfunc_end0:
.L_simem_size_0:
called_computation_lowered:
.L_overlay_start_0:
0x88: {  	s2 =	sld [smem:$0x3FD9]  }
0x89: {  	s3 =	sld [smem:$0x3FFE];
	_ =	sdelay $0x1  }
0x8a: {  	s1 =	srdreg.scid  }
0x8b: {  	s0 =	sand.u32 $0x1, s1  }
0x8c: {  	s16 =	sshll.u32 s0, $0xA;
	s2 =	sadd.s32 s3, s2  }
0x8d: {  	s2 =	sadd.s32 s2, s16  }
0x8e: {  	[smem:$0x3FC0] =	sst s2  }
0x8f: {  	_ = 	snop  }
0x90: {  	(tm) =	ssettm $0x1  }
0x91: {  	s17 =	sld [smem:$0x3FFB];
	_ =	sdelay $0x3  }
0x92: {  	_ =	strace s17  }
0x93: {  	s2 =	sld [smem:$0x3FFC];
	_ =	sdelay $0x3  }
0x94: {  	_ =	strace s2  }
0x95: {  	s2 =	sld [smem:$0x3FFD];
	_ =	sdelay $0x3  }
0x96: {  	_ =	strace s2  }
0x97: {  	_ =	strace $0x8FFFFFFF  }
0x98: {  	s18 =	sld [smem:$0x3FDB];
	_ =	sdelay $0x1  }
0x99: {  	s19 =	simm.s32 $_scs_section_size  }
0x9a: {  	s4 =	simm.s32 $_size__tile_overlayer_lowered;
	s5 =	simm.s32 $_tile_overlayer_lowered  }
0x9b: {  	s22 =	simm.s32 $0x1BFF;
	s21 =	sshll.u32 s5, $0x1;
	s2 =	sadd.s32 s19, s18  }
0x9c: {  	s6 =	simm.s32 $0x0;
	s20 =	sshll.u32 s4, $0x1;
	s4 =	sadd.s32 s21, s2  }
0x9d: {  	[timem:s6], [sflag:s22] =	dma.local [hbm:s4], s20  }
0x9e: {  	_ =	swait.ge [sflag:s22], s20  }
0x9f: {  	s3 =	ssub.s32 $0x0, s20;
	[sflag:s22] =	ssyncset.done $0x0  }
0xa0: {  	[sflag:s22] =	ssyncadd.s32 s3;
	_ =	sdelay $0x1  }
0xa1: {  	s23 =	simm.s32 $0x1B8B  }
0xa2: {  	_ =	swait.ge [sflag:s23], $0x1  }
0xa3: {  	[sflag:s23] =	ssyncset.done $0x0  }
0xa4: {  	s25 =	simm.s32 $0x1B8E;
	s24 =	sld [smem:$0x3FFE];
	[sflag:s23] =	ssyncadd.s32 $0xFFFFFFFF  }
0xa5: {  	s26 =	simm.s32 $execute0_lowered;
	[smem:$0x3FD2] =	sst s25  }
0xa6: {  	s4 =	sshll.u32 s26, $0x1;
	_ =	strace $0x80000046;
	[dreg:$0x1] =	wrdreg $0xFFFFFFFF  }
0xa7: {  	s28 =	simm.s32 $_size_execute0_lowered;
	s2 =	sadd.s32 s2, s4;
	[dreg:$0x0] =	wrdreg $0x0  }
0xa8: {  	s4 =	sshll.u32 s28, $0x1;
	[dreg:$0x2] =	wrdreg s2  }
0xa9: {  	[dreg:$0x3] =	wrdreg s4  }
0xaa: {  	[dreg:$0x4] =	wrdreg $0xC0  }
0xab: {  	_ =	task [dreg:s6], $0x5FFFF  }
0xac: {  	[dreg:$0x1] =	wrdreg $0xFFFFFFFF  }
0xad: {  	[dreg:$0x0] =	wrdreg $0x60  }
0xae: {  	[dreg:$0x2] =	wrdreg s24  }
0xaf: {  	[dreg:$0x3] =	wrdreg $0x0  }
0xb0: {  	[dreg:$0x4] =	wrdreg $0x9  }
0xb1: {  	_ =	task.clear_ibuf [dreg:s6], $0x5FFFF;
	_ =	strace $0x90000046  }
0xb2: {  	s29 =	simm.s32 $0x9;
	_ =	strace $0x80000048  }
0xb3: {  	_ =	swait.ge [sflag:s29], $0x1  }
0xb4: {  	[sflag:s29] =	ssyncadd.s32 $0xFFFFFFFF  }
0xb5: {  	_ =	strace $0x90000048  }
0xb6: {  	_ =	sfence  }
0xb7: {  	s30 =	sld [smem:$0x0];
	_ =	sdelay $0x2  }
0xb8: {  	s31 =	sshll.u32 s1, $0xD;
	s1 =	sshrl.u32 s1, $0x2  }
0xb9: {  	s3 =	sand.u32 $0x4000, s31;
	s1 =	sadd.s32 s1, s30  }
0xba: {  	s0 =	sor.u32 s3, s0;
	s1 =	sshll.u32 s1, $0x11  }
0xbb: {  	s0 =	sor.u32 s1, s0  }
0xbc: {  	s0 =	sadd.s32 $0x8F2B, s0  }
0xbd: {  	[sflag:s0] =	ssyncadd.remote.s32 $0x1  }
0xbe: {  	_ =	sfence.sel $0xFFFF  }
0xbf: {  	[dreg:$0x0] =	wrdreg $0xFFFFFFFF;
	(pc) =	sbr.abs _section_cstart, $3  }
0xc0: {  	[dreg:$0x1] =	wrdreg $0xFFFFFFFF  }
0xc1: {  	_ =	task.clear_ibuf [dreg:s6], $0x2FFFF;
	_ =	strace $0x9FFFFFFF  }
0xc2: {  	(tm) =	ssettm $0x7FFFFFFF  }
0xc3: {  	_ =	shalt  }
tec
execute0_lowered:
.L_overlay_start_1:
0x0: {  	(tag) =	ssettag $0x1  }
0x1: {  	s0 =	srdreg.scid;
	s1 =	rddreg [dreg:$0x0]  }
0x2: {  	s6 =	stileid.u32;
	s2 =	rddreg [dreg:$0x1];
	s7 =	simm.s32 $0x0  }
0x3: {  	s28 =	simm.s32 $0x1;
	s29 =	simm.s32 $0x5800;
	s3 =	smul.u32 $0x5000, s6  }
0x4: {  	s30 =	simm.s32 $0x80;
	s0 =	sand.u32 $0x1, s0;
	s24 =	smul.u32 $0xA000, s6  }
0x5: {  	s31 =	simm.s32 $0x5000;
	[smem:$0x7FF] =	sst s7;
	s4 =	smul.u32 $0x2800, s0  }
0x6: {  	s5 =	smul.u32 $0x280, s6;
	_ =	strace $0x80000047;
	s0 =	ssub.s32 $0x2, s0  }
0x7: {  	s25 =	sshrl.u32 s0, $0x1;
	s26 =	sshrl.u32 s24, $0x2;
	s3 =	sadd.s32 s4, s3  }
0x8: {  	s4 =	sadd.s32 s5, s4;
	s0 =	ssub.s32 s0, s25;
	s5 =	sadd.s32 s26, s2  }
0x9: {  	s26 =	simm.s32 $0x2800;
	s3 =	sshrl.u32 s3, $0x3;
	s4 =	sshll.u32 s4, $0x1  }
0xa: {  	s7 =	smax.u32 s0, $0x1;
	s8 =	sadd.s32 $0x400, s5;
	s9 =	sadd.s32 $0x800, s5  }
0xb: {  	s10 =	sadd.s32 $0xC00, s5;
	s11 =	sadd.s32 $0x1000, s5;
	s12 =	sadd.s32 $0x1400, s5  }
0xc: {  	s13 =	sadd.s32 $0x1800, s5;
	s14 =	sadd.s32 $0x1C00, s5;
	s15 =	sadd.s32 $0x2000, s5  }
0xd: {  	s16 =	sadd.s32 $0x2400, s5;
	s3 =	sadd.s32 s3, s1;
	s1 =	sadd.s32 s4, s1  }
0xe: {  	s4 =	sadd.s32 $0x1600, s3;
	s6 =	sadd.s32 $0xB600, s1;
	s17 =	sadd.s32 $0xB680, s1  }
0xf: {  	s18 =	sadd.s32 $0xB700, s1;
	s19 =	sadd.s32 $0xB780, s1;
	s20 =	sadd.s32 $0xB800, s1  }
0x10: {  	s21 =	sadd.s32 $0xB880, s1;
	s22 =	sadd.s32 $0xB900, s1;
	s23 =	sadd.s32 $0xB980, s1  }
0x11: {  	v0 =	vimm.f32 $0.0e+00;
	v1 =	vimm.f32 $1.000000000e+00;
	s24 =	sadd.s32 $0xBA00, s1;
	s25 =	sadd.s32 $0xBA80, s1;
	s1 =	simm.s32 $0x0  }
.LBB2_1:
0x12: {  	s0 =	simm.s32 $0x0  }
0x13: {  	[tilespmem:s26], [sflag:$0x1] =	stream.linear.gather [hbm4b:s4+s0], $0x2800, $0x38;
	[tilespmem:$0x5C00] =	vst v63  }
0x14: {  	_ =	swait.ge [sflag:s28], $0x2800  }
0x15: {  	[sflag:s28] =	ssyncset.done $0x0  }
0x16: {  	s0 =	simm.s32 $0x0;
	[sflag:s28] =	ssyncadd.s32 $0xFFFFD800  }
.LBB2_2:
0x17: {  	p0 =	sne.s32 s0, $0xFC0  }
.Ltmp0:
0x18: {  	_ = 	snop;
	(pc) =	sbr.rel @p0 .LBB2_2-.Ltmp0, $3  }
0x19: {  	_ =	sdelay $0x1  }
0x1a: {  	s3 =	sshra.s32 s0, $0x2  }
0x1b: {  	s0 =	sadd.s32 $0x40, s0;
	[tilespmem:s3+$0x5800] =	vst v0  }
0x1c: {  	s3 =	simm.s32 $0x40;
	s0 =	simm.s32 $0x0  }
.LBB2_4:
0x1d: {  	p0 =	sne.s32 s3, $0x1FC0;
	[tilespmem:s0+$0x5000] =	vst v1;
	s0 =	smov.u32 s3;
	s3 =	sadd.s32 $0x40, s3  }
.Ltmp1:
0x1e: {  	(pc) =	sbr.rel @p0 .LBB2_4-.Ltmp1, $2  }
0x1f: {  	_ =	sdelay $0x2  }
0x20: {  	s0 =	sshra.s32 s0, $0x2  }
0x21: {  	[tilespmem:s0+$0x5000] =	vst v1  }
0x22: {  	[spmem:s5] =	stream.linear.scatter [tilespmem:s29], [sflag:$0x1], $0x400, $0x38;
	[tilespmem:$0x5C00] =	vst v63  }
0x23: {  	_ =	swait.ge [sflag:s28], $0x400  }
0x24: {  	[sflag:s28] =	ssyncset.done $0x0  }
0x25: {  	[sflag:s28] =	ssyncadd.s32 $0xFFFFFC00  }
0x26: {  	[spmem:s8] =	stream.linear.scatter [tilespmem:s29], [sflag:$0x1], $0x400, $0x38;
	[tilespmem:$0x5C00] =	vst v63  }
0x27: {  	_ =	swait.ge [sflag:s28], $0x400  }
0x28: {  	[sflag:s28] =	ssyncset.done $0x0  }
0x29: {  	[sflag:s28] =	ssyncadd.s32 $0xFFFFFC00  }
0x2a: {  	[spmem:s9] =	stream.linear.scatter [tilespmem:s29], [sflag:$0x1], $0x400, $0x38;
	[tilespmem:$0x5C00] =	vst v63  }
0x2b: {  	_ =	swait.ge [sflag:s28], $0x400  }
0x2c: {  	[sflag:s28] =	ssyncset.done $0x0  }
0x2d: {  	[sflag:s28] =	ssyncadd.s32 $0xFFFFFC00  }
0x2e: {  	[spmem:s10] =	stream.linear.scatter [tilespmem:s29], [sflag:$0x1], $0x400, $0x38;
	[tilespmem:$0x5C00] =	vst v63  }
0x2f: {  	_ =	swait.ge [sflag:s28], $0x400  }
0x30: {  	[sflag:s28] =	ssyncset.done $0x0  }
0x31: {  	[sflag:s28] =	ssyncadd.s32 $0xFFFFFC00  }
0x32: {  	[spmem:s11] =	stream.linear.scatter [tilespmem:s29], [sflag:$0x1], $0x400, $0x38;
	[tilespmem:$0x5C00] =	vst v63  }
0x33: {  	_ =	swait.ge [sflag:s28], $0x400  }
0x34: {  	[sflag:s28] =	ssyncset.done $0x0  }
0x35: {  	[sflag:s28] =	ssyncadd.s32 $0xFFFFFC00  }
0x36: {  	[spmem:s12] =	stream.linear.scatter [tilespmem:s29], [sflag:$0x1], $0x400, $0x38;
	[tilespmem:$0x5C00] =	vst v63  }
0x37: {  	_ =	swait.ge [sflag:s28], $0x400  }
0x38: {  	[sflag:s28] =	ssyncset.done $0x0  }
0x39: {  	[sflag:s28] =	ssyncadd.s32 $0xFFFFFC00  }
0x3a: {  	[spmem:s13] =	stream.linear.scatter [tilespmem:s29], [sflag:$0x1], $0x400, $0x38;
	[tilespmem:$0x5C00] =	vst v63  }
0x3b: {  	_ =	swait.ge [sflag:s28], $0x400  }
0x3c: {  	[sflag:s28] =	ssyncset.done $0x0  }
0x3d: {  	[sflag:s28] =	ssyncadd.s32 $0xFFFFFC00  }
0x3e: {  	[spmem:s14] =	stream.linear.scatter [tilespmem:s29], [sflag:$0x1], $0x400, $0x38;
	[tilespmem:$0x5C00] =	vst v63  }
0x3f: {  	_ =	swait.ge [sflag:s28], $0x400  }
0x40: {  	[sflag:s28] =	ssyncset.done $0x0  }
0x41: {  	[sflag:s28] =	ssyncadd.s32 $0xFFFFFC00  }
0x42: {  	[spmem:s15] =	stream.linear.scatter [tilespmem:s29], [sflag:$0x1], $0x400, $0x38;
	[tilespmem:$0x5C00] =	vst v63  }
0x43: {  	_ =	swait.ge [sflag:s28], $0x400  }
0x44: {  	[sflag:s28] =	ssyncset.done $0x0  }
0x45: {  	[sflag:s28] =	ssyncadd.s32 $0xFFFFFC00  }
0x46: {  	[spmem:s16] =	stream.linear.scatter [tilespmem:s29], [sflag:$0x1], $0x400, $0x38;
	[tilespmem:$0x5C00] =	vst v63  }
0x47: {  	_ =	swait.ge [sflag:s28], $0x400  }
0x48: {  	[sflag:s28] =	ssyncset.done $0x0  }
0x49: {  	[sflag:s28] =	ssyncadd.s32 $0xFFFFFC00  }
0x4a: {  	s3 =	simm.s32 $0x2800;
	[bflag:$0x0] =	sbarrier.arrive $0xFFFF  }
0x4b: {  	[spmem:s2] =	stream.indirect.scatter.add.f32 [tilespmem:s31], [sflag:$0x1], $0x10, s3, s30, $0xb8;
	[tilespmem:$0x5C00] =	vst v63  }
0x4c: {  	s3 =	simm.s32 $0x200;
	_ =	swait.ge [sflag:s28], $0x800  }
.LBB2_6:
0x4d: {  	s0 =	sshra.s32 s3, $0x2;
	[sflag:s28] =	ssyncset.done $0x0;
	p0 =	sne.s32 s3, $0x9E00  }
.Ltmp2:
0x4e: {  	s0 =	sadd.s32 $0x2800, s0;
	[sflag:s28] =	ssyncadd.s32 $0xFFFFF800;
	(pc) =	sbr.rel @p0 .LBB2_6-.Ltmp2, $3  }
0x4f: {  	[spmem:s2] =	stream.indirect.scatter.add.f32 [tilespmem:s31], [sflag:$0x1], $0x10, s0, s30, $0xb8;
	[tilespmem:$0x5C00] =	vst v63  }
0x50: {  	s3 =	sadd.s32 $0x200, s3;
	_ =	sdelay $0x1  }
0x51: {  	_ =	swait.ge [sflag:s28], $0x800  }
0x52: {  	[sflag:s28] =	ssyncset.done $0x0;
	s0 =	stileid.u32  }
0x53: {  	[sflag:s28] =	ssyncadd.s32 $0xFFFFF800;
	s0 =	sshll.u32 s0, $0x6  }
0x54: {  	s3 =	sshrl.u32 s5, $0x3;
	[bflag:$0x0] =	sbarrier.arrive $0xFFFF;
	s0 =	sor.u32 $0x1C01, s0  }
0x55: {  	[hbm:s6], [sflag:s0] =	dma.local [spmem:s3], $0x80  }
0x56: {  	_ =	swait.ge [sflag:s28], $0x80  }
0x57: {  	[sflag:s28] =	ssyncset.done $0x0  }
0x58: {  	s3 =	sshrl.u32 s8, $0x3;
	[sflag:s28] =	ssyncadd.s32 $0xFFFFFF80  }
0x59: {  	[hbm:s17], [sflag:s0] =	dma.local [spmem:s3], $0x80  }
0x5a: {  	_ =	swait.ge [sflag:s28], $0x80  }
0x5b: {  	[sflag:s28] =	ssyncset.done $0x0  }
0x5c: {  	s3 =	sshrl.u32 s9, $0x3;
	[sflag:s28] =	ssyncadd.s32 $0xFFFFFF80  }
0x5d: {  	[hbm:s18], [sflag:s0] =	dma.local [spmem:s3], $0x80  }
0x5e: {  	_ =	swait.ge [sflag:s28], $0x80  }
0x5f: {  	[sflag:s28] =	ssyncset.done $0x0  }
0x60: {  	s3 =	sshrl.u32 s10, $0x3;
	[sflag:s28] =	ssyncadd.s32 $0xFFFFFF80  }
0x61: {  	[hbm:s19], [sflag:s0] =	dma.local [spmem:s3], $0x80  }
0x62: {  	_ =	swait.ge [sflag:s28], $0x80  }
0x63: {  	[sflag:s28] =	ssyncset.done $0x0  }
0x64: {  	s3 =	sshrl.u32 s11, $0x3;
	[sflag:s28] =	ssyncadd.s32 $0xFFFFFF80  }
0x65: {  	[hbm:s20], [sflag:s0] =	dma.local [spmem:s3], $0x80  }
0x66: {  	_ =	swait.ge [sflag:s28], $0x80  }
0x67: {  	[sflag:s28] =	ssyncset.done $0x0  }
0x68: {  	s3 =	sshrl.u32 s12, $0x3;
	[sflag:s28] =	ssyncadd.s32 $0xFFFFFF80  }
0x69: {  	[hbm:s21], [sflag:s0] =	dma.local [spmem:s3], $0x80  }
0x6a: {  	_ =	swait.ge [sflag:s28], $0x80  }
0x6b: {  	[sflag:s28] =	ssyncset.done $0x0  }
0x6c: {  	s3 =	sshrl.u32 s13, $0x3;
	[sflag:s28] =	ssyncadd.s32 $0xFFFFFF80  }
0x6d: {  	[hbm:s22], [sflag:s0] =	dma.local [spmem:s3], $0x80  }
0x6e: {  	_ =	swait.ge [sflag:s28], $0x80  }
0x6f: {  	[sflag:s28] =	ssyncset.done $0x0  }
0x70: {  	s3 =	sshrl.u32 s14, $0x3;
	[sflag:s28] =	ssyncadd.s32 $0xFFFFFF80  }
0x71: {  	[hbm:s23], [sflag:s0] =	dma.local [spmem:s3], $0x80  }
0x72: {  	_ =	swait.ge [sflag:s28], $0x80  }
0x73: {  	[sflag:s28] =	ssyncset.done $0x0  }
0x74: {  	s3 =	sshrl.u32 s15, $0x3;
	[sflag:s28] =	ssyncadd.s32 $0xFFFFFF80  }
0x75: {  	[hbm:s24], [sflag:s0] =	dma.local [spmem:s3], $0x80  }
0x76: {  	s1 =	sadd.s32 $0x1, s1;
	_ =	swait.ge [sflag:s28], $0x80  }
0x77: {  	p0 =	sne.s32 s1, s7;
	[sflag:s28] =	ssyncset.done $0x0  }
.Ltmp3:
0x78: {  	s3 =	sshrl.u32 s16, $0x3;
	[sflag:s28] =	ssyncadd.s32 $0xFFFFFF80;
	(pc) =	sbr.rel @p0 .LBB2_1-.Ltmp3, $4  }
0x79: {  	[hbm:s25], [sflag:s0] =	dma.local [spmem:s3], $0x80  }
0x7a: {  	_ =	swait.ge [sflag:s28], $0x80  }
0x7b: {  	[sflag:s28] =	ssyncset.done $0x0  }
0x7c: {  	[sflag:s28] =	ssyncadd.s32 $0xFFFFFF80  }
0x7d: {  	_ =	sfence.sel $0x180000  }
0x7e: {  	[bflag:$0x0] =	sbarrier.arrive $0xFFFF  }
0x7f: {  	_ =	strace $0x90000047  }
0x80: {  	s0 =	stileid.u32;
	[bflag:$0x2] =	sbarrier.arrive $0xFFFF  }
0x81: {  	p0 =	sne.s32 s0, $0x0;
	s0 =	rddreg [dreg:$0x2]  }
0x82: {  	s0 =	sadd.s32 @!p0 $0x100000, s0  }
0x83: {  	[sflag:s0] =	ssyncadd.tile.s32 @!p0 $0x1;
	_ =	shalt  }
.Lfunc_end2:
_tile_overlayer_lowered:
.L_overlay_start_2:
0x84: {  	(tag) =	ssettag $0x2  }
0x85: {  	s0 =	rddreg [dreg:$0x0];
	s2 =	stileid.u32  }
0x86: {  	s1 =	rddreg [dreg:$0x1];
	p0 =	sne.s32 s2, $0x0  }
0x87: {  	s3 =	rddreg [dreg:$0x2];
	[bflag:$0x3] =	sbarrier.arrive $0xFFFF;
	s2 =	simm.s32 @!p0 $0x1C01  }
0x88: {  	[timem:s3], [sflag:s2] =	dma.local @!p0 [hbm:s0], s1  }
0x89: {  	s0 =	simm.s32 @!p0 $0x1  }
0x8a: {  	_ =	swait.ge @!p0 [sflag:s0], s1  }
0x8b: {  	s1 =	ssub.s32 @!p0 $0x0, s1;
	[sflag:s0] =	ssyncset.done @!p0 $0x0  }
0x8c: {  	[sflag:s0] =	ssyncadd.s32 @!p0 s1  }
0x8d: {  	[bflag:$0x3] =	sbarrier.arrive $0xFFFF  }
0x8e: {  	_ =	shalt  }

// kernel: kernel.8.cloned.1.call-start
scs
__scs_entry_jumppad:
0x0: {  	(pc) =	sbr.rel $0x88, $3  }
0x1: {  	(tag) =	ssettag $0x0;
	lr =	simm.s32 $0x1  }
0x2: {  	[smem:$0x3F99] =	sst lr;
	_ =	strace $0xD0000000  }
0x3: {  	_ = 	snop  }
0x4: {  	_ = 	snop  }
0x5: {  	_ = 	snop  }
0x6: {  	_ = 	snop  }
0x7: {  	_ = 	snop  }
__scs_overlays_trampoline_lowered:
0x8: {  	[smem:$0x3FA8] =	sst s0  }
0x9: {  	[smem:$0x3FA9] =	sst s1  }
0xa: {  	[smem:$0x3FAA] =	sst s2  }
0xb: {  	[smem:$0x3FAB] =	sst s3  }
0xc: {  	[smem:$0x3FAC] =	sst s4  }
0xd: {  	[smem:$0x3FAD] =	sst s5  }
0xe: {  	[smem:$0x3FAE] =	sst s6  }
0xf: {  	[smem:$0x3FAF] =	sst s7  }
0x10: {  	[smem:$0x3FB0] =	sst s8  }
0x11: {  	[smem:$0x3FB1] =	sst s9;
	s0 =	simm.s32 @!p0 $0x0  }
0x12: {  	s1 =	sld [smem:$0x3F97];
	s0 =	simm.s32 @p0 $0x1  }
0x13: {  	[smem:$0x3FB2] =	sst s0;
	s0 =	simm.s32 @!p1 $0x0  }
0x14: {  	s2 =	sld [smem:$0x3F96];
	s0 =	simm.s32 @p1 $0x1  }
0x15: {  	[smem:$0x3FB3] =	sst s0;
	s0 =	simm.s32 @!p2 $0x0  }
0x16: {  	s3 =	sld [smem:$0x3FDB];
	s0 =	simm.s32 @p2 $0x1  }
0x17: {  	s4 =	simm.s32 $0x1BF5;
	[smem:$0x3FB5] =	sst s0  }
0x18: {  	s0 =	sld [smem:$0x3F98];
	_ =	swait.ge [sflag:s4], $0x0  }
0x19: {  	s7 =	sld [smem:$0x3F99]  }
0x1a: {  	s8 =	sadd.s32 $0xFFFFE003, lr  }
0x1b: {  	s9 =	sadd.s32 $0xFFFFFEF7, lr;
	s5 =	simm.s32 $0xFFFFFFFF;
	p2 =	slt.u32 s8, $0xFFFFF086  }
0x1c: {  	p1 =	slt.u32 s9, $0xF7A;
	s5 =	simm.s32 @!p2 $0x0  }
0x1d: {  	s5 =	simm.s32 @p1 $0x1;
	p0 =	seq.s32 s7, s2  }
0x1e: {  	s7 =	smul.u32 @!p0 $0xF7A, s2;
	p2 =	seq.s32 @!p0 s5, $0x0  }
0x1f: {  	s9 =	smul.u32 $0xF7A, s1;
	s8 =	simm.s32 @!p0 $0x1BF5;
	p2 =	por !p2, p0  }
0x20: {  	[sflag:s8] =	ssyncset.s32 @!p0 $0xFFFFF086;
	s6 =	sadd.s32 @!p0 s3, s7;
	s7 =	simm.s32 @!p0 $0x108  }
0x21: {  	s3 =	sadd.s32 s3, s9;
	s6 =	sadd.s32 @!p0 $0x88, s6;
	s7 =	simm.s32 @p2 $0x1082  }
0x22: {  	[simem:s7], [sflag:s8] =	dma.local @!p0 [hbm:s6], $0xF7A  }
0x23: {  	s9 =	sor.u32 $0xD0000000, s2;
	s6 =	simm.s32 $0x108;
	_ =	swait.ge @!p0 [sflag:s8], $0x0  }
0x24: {  	s3 =	sadd.s32 $0x88, s3;
	s6 =	simm.s32 @!p1 $0x1082;
	[sflag:s4] =	ssyncset.s32 $0xFFFFF086  }
0x25: {  	[simem:s6], [sflag:s4] =	dma.local [hbm:s3], $0xF7A  }
0x26: {  	[smem:$0x3F99] =	sst s1;
	(tag) =	ssettag s2;
	_ =	strace s9  }
0x27: {  	s1 =	sld [smem:$0x3FA9]  }
0x28: {  	s2 =	sld [smem:$0x3FAA]  }
0x29: {  	s4 =	sld [smem:$0x3FAC]  }
0x2a: {  	p0 =	seq.s32 s5, $0x0;
	s5 =	sld [smem:$0x3FAD]  }
0x2b: {  	s6 =	sld [smem:$0x3FAE]  }
0x2c: {  	s7 =	sld [smem:$0x3FAF]  }
0x2d: {  	s3 =	simm.s32 $0x108;
	s8 =	sld [smem:$0x3FB0]  }
0x2e: {  	s3 =	simm.s32 @!p0 $0x1082;
	s9 =	sld [smem:$0x3FB1]  }
0x2f: {  	lr =	sadd.s32 s0, s3;
	s0 =	sld [smem:$0x3FA8]  }
0x30: {  	s3 =	sld [smem:$0x3FAB]  }
0x31: {  	[smem:$0x3FB4] =	sst s10  }
0x32: {  	s10 =	sld [smem:$0x3FB2];
	_ =	sdelay $0x3  }
0x33: {  	p0 =	seq.s32 s10, $0x1;
	s10 =	sld [smem:$0x3FB4];
	_ =	sdelay $0x3  }
0x34: {  	[smem:$0x3FB4] =	sst s10  }
0x35: {  	s10 =	sld [smem:$0x3FB3];
	_ =	sdelay $0x3  }
0x36: {  	p1 =	seq.s32 s10, $0x1;
	s10 =	sld [smem:$0x3FB4];
	_ =	sdelay $0x3  }
0x37: {  	[smem:$0x3FB4] =	sst s10  }
0x38: {  	s10 =	sld [smem:$0x3FB5]  }
0x39: {  	_ = 	snop;
	(pc) =	sbr.ind lr, $3  }
0x3a: {  	_ = 	snop  }
0x3b: {  	_ = 	snop  }
0x3c: {  	p2 =	seq.s32 s10, $0x1;
	s10 =	sld [smem:$0x3FB4]  }
0x3d: {  	_ =	shalt  }
0x3e: {  	_ =	shalt  }
0x3f: {  	_ =	shalt  }
0x40: {  	_ =	shalt  }
0x41: {  	_ =	shalt  }
0x42: {  	_ =	shalt  }
0x43: {  	_ =	shalt  }
0x44: {  	_ =	shalt  }
0x45: {  	_ =	shalt  }
0x46: {  	_ =	shalt  }
0x47: {  	_ =	shalt  }
0x48: {  	_ =	shalt  }
0x49: {  	_ =	shalt  }
0x4a: {  	_ =	shalt  }
0x4b: {  	_ =	shalt  }
0x4c: {  	_ =	shalt  }
0x4d: {  	_ =	shalt  }
0x4e: {  	_ =	shalt  }
0x4f: {  	_ =	shalt  }
0x50: {  	_ =	shalt  }
0x51: {  	_ =	shalt  }
0x52: {  	_ =	shalt  }
0x53: {  	_ =	shalt  }
0x54: {  	_ =	shalt  }
0x55: {  	_ =	shalt  }
0x56: {  	_ =	shalt  }
0x57: {  	_ =	shalt  }
0x58: {  	_ =	shalt  }
0x59: {  	_ =	shalt  }
0x5a: {  	_ =	shalt  }
0x5b: {  	_ =	shalt  }
0x5c: {  	_ =	shalt  }
0x5d: {  	_ =	shalt  }
0x5e: {  	_ =	shalt  }
0x5f: {  	_ =	shalt  }
0x60: {  	_ =	shalt  }
0x61: {  	_ =	shalt  }
0x62: {  	_ =	shalt  }
0x63: {  	_ =	shalt  }
0x64: {  	_ =	shalt  }
0x65: {  	_ =	shalt  }
0x66: {  	_ =	shalt  }
0x67: {  	_ =	shalt  }
0x68: {  	_ =	shalt  }
0x69: {  	_ =	shalt  }
0x6a: {  	_ =	shalt  }
0x6b: {  	_ =	shalt  }
0x6c: {  	_ =	shalt  }
0x6d: {  	_ =	shalt  }
0x6e: {  	_ =	shalt  }
0x6f: {  	_ =	shalt  }
0x70: {  	_ =	shalt  }
0x71: {  	_ =	shalt  }
0x72: {  	_ =	shalt  }
0x73: {  	_ =	shalt  }
0x74: {  	_ =	shalt  }
0x75: {  	_ =	shalt  }
0x76: {  	_ =	shalt  }
0x77: {  	_ =	shalt  }
0x78: {  	_ =	shalt  }
0x79: {  	_ =	shalt  }
0x7a: {  	_ =	shalt  }
0x7b: {  	_ =	shalt  }
0x7c: {  	_ =	shalt  }
0x7d: {  	_ =	shalt  }
0x7e: {  	_ =	shalt  }
0x7f: {  	_ =	shalt  }
0x80: {  	_ =	shalt  }
0x81: {  	_ =	shalt  }
0x82: {  	_ =	shalt  }
0x83: {  	_ =	shalt  }
0x84: {  	_ =	shalt  }
0x85: {  	_ =	shalt  }
0x86: {  	_ =	shalt  }
0x87: {  	_ =	shalt  }
.Lfunc_end0:
.L_simem_size_0:
called_computation.1_lowered:
.L_overlay_start_0:
0x88: {  	s2 =	sld [smem:$0x3FD9]  }
0x89: {  	s3 =	sld [smem:$0x3FFE];
	_ =	sdelay $0x1  }
0x8a: {  	s1 =	srdreg.scid  }
0x8b: {  	s0 =	sand.u32 $0x1, s1  }
0x8c: {  	s17 =	sshll.u32 s0, $0xA;
	s2 =	sadd.s32 s3, s2  }
0x8d: {  	s2 =	sadd.s32 s2, s17  }
0x8e: {  	[smem:$0x3FC0] =	sst s2  }
0x8f: {  	_ = 	snop  }
0x90: {  	s2 =	sld [smem:$0x3FD0];
	(tm) =	ssettm $0x1  }
0x91: {  	s18 =	sld [smem:$0x3FFB];
	_ =	sdelay $0x3  }
0x92: {  	_ =	strace s18  }
0x93: {  	s3 =	sld [smem:$0x3FFC];
	_ =	sdelay $0x3  }
0x94: {  	_ =	strace s3  }
0x95: {  	s3 =	sld [smem:$0x3FFD];
	_ =	sdelay $0x3  }
0x96: {  	_ =	strace s3  }
0x97: {  	_ =	strace $0x8FFFFFFF  }
0x98: {  	s19 =	sld [smem:$0x3FDB];
	_ =	sdelay $0x1  }
0x99: {  	s4 =	simm.s32 $_scs_section_size  }
0x9a: {  	s5 =	simm.s32 $_size__tile_overlayer_lowered;
	s6 =	simm.s32 $_tile_overlayer_lowered  }
0x9b: {  	s22 =	simm.s32 $0x1BFF;
	s21 =	sshll.u32 s6, $0x1;
	s3 =	sadd.s32 s4, s19  }
0x9c: {  	s7 =	simm.s32 $0x0;
	s20 =	sshll.u32 s5, $0x1;
	s5 =	sadd.s32 s21, s3  }
0x9d: {  	[timem:s7], [sflag:s22] =	dma.local [hbm:s5], s20  }
0x9e: {  	_ =	swait.ge [sflag:s22], s20  }
0x9f: {  	s4 =	ssub.s32 $0x0, s20;
	[sflag:s22] =	ssyncset.done $0x0  }
0xa0: {  	[sflag:s22] =	ssyncadd.s32 s4;
	_ =	sdelay $0x1  }
0xa1: {  	s23 =	simm.s32 $0x1B8B  }
0xa2: {  	_ =	swait.ge [sflag:s23], $0x1  }
0xa3: {  	[sflag:s23] =	ssyncset.done $0x0  }
0xa4: {  	s25 =	simm.s32 $0x1B8E;
	s24 =	sld [smem:$0x3FFE];
	[sflag:s23] =	ssyncadd.s32 $0xFFFFFFFF  }
0xa5: {  	s26 =	simm.s32 $execute0_lowered;
	[smem:$0x3FD2] =	sst s25  }
0xa6: {  	s5 =	sshll.u32 s26, $0x1;
	_ =	strace $0x80000049;
	[dreg:$0x1] =	wrdreg $0xFFFFFFFF  }
0xa7: {  	s28 =	simm.s32 $_size_execute0_lowered;
	s3 =	sadd.s32 s3, s5;
	[dreg:$0x0] =	wrdreg $0x0  }
0xa8: {  	s5 =	sshll.u32 s28, $0x1;
	[dreg:$0x2] =	wrdreg s3  }
0xa9: {  	[dreg:$0x3] =	wrdreg s5  }
0xaa: {  	[dreg:$0x4] =	wrdreg $0xC0  }
0xab: {  	_ =	task [dreg:s7], $0x5FFFF  }
0xac: {  	[dreg:$0x1] =	wrdreg $0xFFFFFFFF  }
0xad: {  	[dreg:$0x0] =	wrdreg $0x60  }
0xae: {  	[dreg:$0x2] =	wrdreg s24  }
0xaf: {  	[dreg:$0x3] =	wrdreg s2  }
0xb0: {  	[dreg:$0x4] =	wrdreg $0x3C000  }
0xb1: {  	[dreg:$0x5] =	wrdreg $0x0  }
0xb2: {  	[dreg:$0x6] =	wrdreg $0x9  }
0xb3: {  	_ =	task.clear_ibuf [dreg:s7], $0x7FFFF;
	_ =	strace $0x90000049  }
0xb4: {  	s29 =	simm.s32 $0x9;
	_ =	strace $0x8000004B  }
0xb5: {  	_ =	swait.ge [sflag:s29], $0x1  }
0xb6: {  	[sflag:s29] =	ssyncadd.s32 $0xFFFFFFFF  }
0xb7: {  	_ =	strace $0x9000004B  }
0xb8: {  	_ =	sfence  }
0xb9: {  	s30 =	sld [smem:$0x0];
	_ =	sdelay $0x2  }
0xba: {  	s31 =	sshll.u32 s1, $0xD;
	s1 =	sshrl.u32 s1, $0x2  }
0xbb: {  	s3 =	sand.u32 $0x4000, s31;
	s1 =	sadd.s32 s1, s30  }
0xbc: {  	s0 =	sor.u32 s3, s0;
	s1 =	sshll.u32 s1, $0x11  }
0xbd: {  	s0 =	sor.u32 s1, s0  }
0xbe: {  	s0 =	sadd.s32 $0x8F2B, s0  }
0xbf: {  	[sflag:s0] =	ssyncadd.remote.s32 $0x1  }
0xc0: {  	_ =	sfence.sel $0xFFFF  }
0xc1: {  	[dreg:$0x0] =	wrdreg $0xFFFFFFFF;
	(pc) =	sbr.abs _section_cstart, $3  }
0xc2: {  	[dreg:$0x1] =	wrdreg $0xFFFFFFFF  }
0xc3: {  	_ =	task.clear_ibuf [dreg:s7], $0x2FFFF;
	_ =	strace $0x9FFFFFFF  }
0xc4: {  	(tm) =	ssettm $0x7FFFFFFF  }
0xc5: {  	_ =	shalt  }
tec
execute0_lowered:
.L_overlay_start_1:
0x0: {  	(tag) =	ssettag $0x1  }
0x1: {  	s1 =	rddreg [dreg:$0x0]  }
0x2: {  	s0 =	srdreg.scid;
	s9 =	rddreg [dreg:$0x1]  }
0x3: {  	s8 =	stileid.u32;
	s4 =	rddreg [dreg:$0x2]  }
0x4: {  	s5 =	rddreg [dreg:$0x3];
	s6 =	simm.s32 $0x0;
	s11 =	smul.u32 $0xA00, s8  }
0x5: {  	s0 =	sand.u32 $0x1, s0;
	[smem:$0x7FF] =	sst s6;
	s12 =	smul.u32 $0xF000, s8  }
0x6: {  	s3 =	smul.u32 $0x2800, s0;
	_ =	strace $0x8000004A;
	s0 =	ssub.s32 $0x2, s0  }
0x7: {  	s13 =	sadd.s32 s11, s1;
	s14 =	sshrl.u32 s0, $0x1;
	s9 =	sadd.s32 s9, s11  }
0x8: {  	s18 =	sshrl.u32 s12, $0x2;
	[dreg:$0x5] =	wrdreg s9;
	s19 =	sadd.s32 $0x1600, s13  }
0x9: {  	s0 =	ssub.s32 s0, s14;
	s9 =	sadd.s32 s18, s4;
	[dreg:$0x6] =	wrdreg s19  }
0xa: {  	s0 =	smax.u32 s0, $0x1;
	[dreg:$0x8] =	wrdreg s9  }
0xb: {  	s29 =	simm.s32 $0x19A00;
	s20 =	sadd.s32 $0x600, s9;
	[dreg:$0x9] =	wrdreg s0  }
0xc: {  	s28 =	simm.s32 $0x1;
	s21 =	sadd.s32 $0xC00, s9;
	[dreg:$0xa] =	wrdreg s20  }
0xd: {  	s2 =	smul.u32 $0x280, s8;
	s22 =	sadd.s32 $0x1200, s9;
	[dreg:$0xb] =	wrdreg s21  }
0xe: {  	s8 =	sadd.s32 $0x24600, s1;
	s23 =	sadd.s32 $0x1800, s9;
	[dreg:$0xc] =	wrdreg s22  }
0xf: {  	s11 =	simm.s32 $0x11700;
	s24 =	sadd.s32 $0x1E00, s9;
	[dreg:$0xd] =	wrdreg s23  }
0x10: {  	s12 =	simm.s32 $0x0;
	s25 =	sadd.s32 $0x2400, s9;
	[dreg:$0xe] =	wrdreg s24  }
0x11: {  	s7 =	sadd.s32 s2, s3;
	s26 =	sadd.s32 $0x2A00, s9;
	[dreg:$0xf] =	wrdreg s25  }
0x12: {  	s13 =	sadd.s32 $0x10600, s1;
	s30 =	sadd.s32 $0x3000, s9;
	[dreg:$0x10] =	wrdreg s26  }
0x13: {  	s7 =	smul.u32 $0x3, s7;
	s31 =	sadd.s32 $0x3600, s9;
	[dreg:$0x11] =	wrdreg s30  }
0x14: {  	s14 =	simm.s32 $0x11780;
	s9 =	simm.s32 $0x18E00;
	[dreg:$0x12] =	wrdreg s31  }
0x15: {  	s24 =	simm.s32 $0x7800;
	s25 =	simm.s32 $0x2;
	s10 =	sadd.s32 s7, s1  }
0x16: {  	s0 =	simm.s32 $0x80;
	s26 =	simm.s32 $0x18200;
	s10 =	sadd.s32 $0x15600, s10  }
0x17: {  	v0 =	vimm.f32 $0.0e+00;
	s7 =	sadd.s32 $0xB600, s1;
	s1 =	simm.s32 $0x17C00;
	[dreg:$0x7] =	wrdreg s10  }
.LBB2_1:
0x18: {  	[dreg:$0x13] =	wrdreg s12  }
0x19: {  	s10 =	rddreg [dreg:$0x5]  }
0x1a: {  	[tilespmem:s24], [sflag:$0x2] =	stream.linear.gather [hbm4b:s10+s6], $0x5000, $0x38;
	[tilespmem:$0x1A800] =	vst v63  }
0x1b: {  	_ =	swait.ge [sflag:s25], $0x5000  }
0x1c: {  	[sflag:s25] =	ssyncset.done $0x0  }
0x1d: {  	s23 =	simm.s32 $0xC800;
	s22 =	rddreg [dreg:$0x6];
	[sflag:s25] =	ssyncadd.s32 $0xFFFFB000  }
0x1e: {  	[tilespmem:s23], [sflag:$0x2] =	stream.linear.gather [hbm4b:s22+s6], $0x5000, $0x38;
	[tilespmem:$0x1A800] =	vst v63  }
0x1f: {  	_ =	swait.ge [sflag:s25], $0x5000  }
0x20: {  	[sflag:s25] =	ssyncset.done $0x0  }
0x21: {  	s31 =	simm.s32 $0x11800;
	s30 =	rddreg [dreg:$0x7];
	[sflag:s25] =	ssyncadd.s32 $0xFFFFB000  }
0x22: {  	[tilespmem:s31], [sflag:$0x2] =	stream.linear.gather [hbm4b:s30+s6], $0x3C00, $0x38;
	[tilespmem:$0x1A800] =	vst v63  }
0x23: {  	_ =	swait.ge [sflag:s25], $0x3C00  }
0x24: {  	[sflag:s25] =	ssyncset.done $0x0  }
0x25: {  	s12 =	simm.s32 $0x0;
	[sflag:s25] =	ssyncadd.s32 $0xFFFFC400  }
0x26: {  	s10 =	simm.s32 $0x60;
	[tilespmem:s12+$0x19A00] =	vst v0  }
.LBB2_2:
0x27: {  	p0 =	sne.s32 s10, $0x17A0;
	[tilespmem:s12+$0x19A08] =	vst v0;
	s12 =	smov.u32 s10;
	s10 =	sadd.s32 $0x60, s10  }
.Ltmp0:
0x28: {  	(pc) =	sbr.rel @p0 .LBB2_2-.Ltmp0, $3  }
0x29: {  	_ =	sdelay $0x1  }
0x2a: {  	s12 =	sshra.s32 s12, $0x2  }
0x2b: {  	[tilespmem:s12+$0x19A00] =	vst v0  }
0x2c: {  	[tilespmem:s12+$0x19A08] =	vst v0;
	s10 =	rddreg [dreg:$0x8]  }
0x2d: {  	[spmem:s10] =	stream.linear.scatter [tilespmem:s29], [sflag:$0x2], $0x600, $0x38;
	[tilespmem:$0x1A800] =	vst v63  }
0x2e: {  	_ =	swait.ge [sflag:s25], $0x600  }
0x2f: {  	[sflag:s25] =	ssyncset.done $0x0  }
0x30: {  	s15 =	rddreg [dreg:$0xa];
	[sflag:s25] =	ssyncadd.s32 $0xFFFFFA00  }
0x31: {  	[spmem:s15] =	stream.linear.scatter [tilespmem:s29], [sflag:$0x2], $0x600, $0x38;
	[tilespmem:$0x1A800] =	vst v63  }
0x32: {  	_ =	swait.ge [sflag:s25], $0x600  }
0x33: {  	[sflag:s25] =	ssyncset.done $0x0  }
0x34: {  	s16 =	rddreg [dreg:$0xb];
	[sflag:s25] =	ssyncadd.s32 $0xFFFFFA00  }
0x35: {  	[spmem:s16] =	stream.linear.scatter [tilespmem:s29], [sflag:$0x2], $0x600, $0x38;
	[tilespmem:$0x1A800] =	vst v63  }
0x36: {  	_ =	swait.ge [sflag:s25], $0x600  }
0x37: {  	[sflag:s25] =	ssyncset.done $0x0  }
0x38: {  	s17 =	rddreg [dreg:$0xc];
	[sflag:s25] =	ssyncadd.s32 $0xFFFFFA00  }
0x39: {  	[spmem:s17] =	stream.linear.scatter [tilespmem:s29], [sflag:$0x2], $0x600, $0x38;
	[tilespmem:$0x1A800] =	vst v63  }
0x3a: {  	_ =	swait.ge [sflag:s25], $0x600  }
0x3b: {  	[sflag:s25] =	ssyncset.done $0x0  }
0x3c: {  	s18 =	rddreg [dreg:$0xd];
	[sflag:s25] =	ssyncadd.s32 $0xFFFFFA00  }
0x3d: {  	[spmem:s18] =	stream.linear.scatter [tilespmem:s29], [sflag:$0x2], $0x600, $0x38;
	[tilespmem:$0x1A800] =	vst v63  }
0x3e: {  	_ =	swait.ge [sflag:s25], $0x600  }
0x3f: {  	[sflag:s25] =	ssyncset.done $0x0  }
0x40: {  	s19 =	rddreg [dreg:$0xe];
	[sflag:s25] =	ssyncadd.s32 $0xFFFFFA00  }
0x41: {  	[spmem:s19] =	stream.linear.scatter [tilespmem:s29], [sflag:$0x2], $0x600, $0x38;
	[tilespmem:$0x1A800] =	vst v63  }
0x42: {  	_ =	swait.ge [sflag:s25], $0x600  }
0x43: {  	[sflag:s25] =	ssyncset.done $0x0  }
0x44: {  	s20 =	rddreg [dreg:$0xf];
	[sflag:s25] =	ssyncadd.s32 $0xFFFFFA00  }
0x45: {  	[spmem:s20] =	stream.linear.scatter [tilespmem:s29], [sflag:$0x2], $0x600, $0x38;
	[tilespmem:$0x1A800] =	vst v63  }
0x46: {  	_ =	swait.ge [sflag:s25], $0x600  }
0x47: {  	[sflag:s25] =	ssyncset.done $0x0  }
0x48: {  	s21 =	rddreg [dreg:$0x10];
	[sflag:s25] =	ssyncadd.s32 $0xFFFFFA00  }
0x49: {  	[spmem:s21] =	stream.linear.scatter [tilespmem:s29], [sflag:$0x2], $0x600, $0x38;
	[tilespmem:$0x1A800] =	vst v63  }
0x4a: {  	_ =	swait.ge [sflag:s25], $0x600  }
0x4b: {  	[sflag:s25] =	ssyncset.done $0x0  }
0x4c: {  	s22 =	rddreg [dreg:$0x11];
	[sflag:s25] =	ssyncadd.s32 $0xFFFFFA00  }
0x4d: {  	[spmem:s22] =	stream.linear.scatter [tilespmem:s29], [sflag:$0x2], $0x600, $0x38;
	[tilespmem:$0x1A800] =	vst v63  }
0x4e: {  	_ =	swait.ge [sflag:s25], $0x600  }
0x4f: {  	[sflag:s25] =	ssyncset.done $0x0  }
0x50: {  	s23 =	rddreg [dreg:$0x12];
	[sflag:s25] =	ssyncadd.s32 $0xFFFFFA00  }
0x51: {  	[spmem:s23] =	stream.linear.scatter [tilespmem:s29], [sflag:$0x2], $0x600, $0x38;
	[tilespmem:$0x1A800] =	vst v63  }
0x52: {  	s30 =	simm.s32 $0x11808;
	_ =	swait.ge [sflag:s25], $0x600  }
0x53: {  	s31 =	smov.u32 s2;
	s16 =	simm.s32 $0x0;
	[sflag:s25] =	ssyncset.done $0x0  }
0x54: {  	s18 =	simm.s32 $0x15400;
	s20 =	simm.s32 $0x0;
	[sflag:s25] =	ssyncadd.s32 $0xFFFFFA00  }
.LBB2_4:
0x55: {  	s10 =	sshll.u32 s20, $0x6  }
0x56: {  	s21 =	sadd.s32 s2, s10  }
0x57: {  	s10 =	sshll.u32 s21, $0x1  }
0x58: {  	s15 =	simm.s32 $0x1A000;
	s12 =	sadd.s32 s7, s10  }
0x59: {  	[tilespmem:s15], [sflag:$0x2] =	stream.linear.gather [hbm4b:s12+s16], $0x400, $0x38;
	[tilespmem:$0x1A800] =	vst v63  }
0x5a: {  	_ =	swait.ge [sflag:s25], $0x400  }
0x5b: {  	[sflag:s25] =	ssyncset.done $0x0  }
0x5c: {  	s22 =	simm.s32 $0x1A400;
	s10 =	sadd.s32 s10, s13;
	[sflag:s25] =	ssyncadd.s32 $0xFFFFFC00  }
0x5d: {  	[tilespmem:s22], [sflag:$0x2] =	stream.linear.gather [hbm4b:s10+s16], $0x400, $0x38;
	[tilespmem:$0x1A800] =	vst v63  }
0x5e: {  	_ =	swait.ge [sflag:s25], $0x400  }
0x5f: {  	[sflag:s25] =	ssyncset.done $0x0  }
0x60: {  	s23 =	simm.s32 $0x0;
	[sflag:s25] =	ssyncadd.s32 $0xFFFFFC00  }
0x61: {  	v1 =	vld [tilespmem:s23+$0x1A000]  }
0x62: {  	v2 =	vld [tilespmem:s23+$0x1A400];
	_ =	sdelay $0x4  }
0x63: {  	v1 =	vadd.f32 v2, v1;
	_ =	sdelay $0x1  }
0x64: {  	v1 =	vmax.f32 v1, $1.000000000e+00  }
0x65: {  	v2 =	vshrl.u32 v1, $0x1;
	v3 =	vmul.f32 $5.000000000e-01, v1  }
0x66: {  	v2 =	vsub.s32 $0x5F3759DF, v2  }
0x67: {  	v4 =	vmul.f32 v2, v3;
	_ =	sdelay $0x1  }
0x68: {  	v4 =	vmul.f32 v2, v4;
	_ =	sdelay $0x1  }
0x69: {  	v4 =	vsub.f32 $1.500000000e+00, v4  }
0x6a: {  	(erf) = vrcp.f32 v1  }
0x6b: {  	v1 =	vmul.f32 v2, v4;
	_ =	sdelay $0x1  }
0x6c: {  	v2 =	vmul.f32 v1, v3;
	_ =	sdelay $0x1  }
0x6d: {  	v4 =	vmov s31;
	v2 =	vmul.f32 v2, v1  }
0x6e: {  	v4 =	vsub.s32 $0x2710, v4  }
0x6f: {  	v4 =	vcvt.s32.f32 v4;
	v2 =	vsub.f32 $1.500000000e+00, v2;
	_ =	sdelay $0x1  }
0x70: {  	v5 =	vpop (erf);
	v4 =	vmax.f32 v4, $0.0e+00;
	v6 =	vmul.f32 v2, v1  }
0x71: {  	v2 =	vmin.f32 v4, $1.000000000e+00;
	v4 =	vmul.f32 $8.999999760e-01, v5  }
0x72: {  	v5 =	vbroadcast v2, $0x0;
	v2 =	vmul.f32 v6, v3  }
0x73: {  	v1 =	vmov s18  }
0x74: {  	v2 =	vmul.f32 v2, v6;
	_ =	sdelay $0x1  }
0x75: {  	v3 =	vmul.f32 v4, v5;
	v4 =	vsub.f32 $1.500000000e+00, v2;
	_ =	sdelay $0x1  }
0x76: {  	[tilespmem:v1+s23+$0x0 ss:$0x1] =	vst.idx.msk $0xffff, v3;
	v3 =	vmul.f32 v4, v6  }
0x77: {  	v2 =	vld [tilespmem:s30+$0xFFFFFFF8]  }
0x78: {  	v5 =	vmul.f32 v3, v5;
	v3 =	vld [tilespmem:s30+$0x0];
	_ =	sdelay $0x2  }
0x79: {  	s19 =	smov.u32 s31;
	s17 =	smov.u32 s30;
	s12 =	simm.s32 $0x40  }
0x7a: {  	s15 =	simm.s32 $0x17C08;
	s22 =	smov.u32 s30;
	s23 =	simm.s32 $0x17C08;
	v6 =	vmul.f32 v5, v2;
	v4 =	vmul.f32 $1.000000010e-01, v5  }
.LBB2_5:
0x7b: {  	v5 =	vmul.f32 v5, v3;
	s23 =	sadd.s32 $0x18, s23;
	s22 =	sadd.s32 $0x18, s22;
	s19 =	sadd.s32 $0x1, s19  }
0x7c: {  	p0 =	sne.s32 s12, $0xFC0;
	s10 =	smov.u32 s12;
	s12 =	sadd.s32 $0x40, s12;
	[tilespmem:s15+$0xFFFFFFF8] =	vst v6;
	v2 =	vmul.f32 v4, v2;
	v3 =	vmul.f32 v4, v3  }
0x7d: {  	s10 =	sshra.s32 s10, $0x2;
	[tilespmem:s15+$0x0] =	vst v5;
	s15 =	smov.u32 s23  }
0x7e: {  	[tilespmem:s17+$0xFFFFFFF8] =	vst v2  }
0x7f: {  	[tilespmem:s17+$0x0] =	vst v3;
	s17 =	smov.u32 s22  }
0x80: {  	v2 =	vld [tilespmem:s10+$0x1A000]  }
0x81: {  	v3 =	vld [tilespmem:s10+$0x1A400];
	_ =	sdelay $0x4  }
0x82: {  	v2 =	vadd.f32 v3, v2;
	_ =	sdelay $0x1  }
0x83: {  	v2 =	vmax.f32 v2, $1.000000000e+00  }
0x84: {  	v3 =	vshrl.u32 v2, $0x1;
	v4 =	vmul.f32 $5.000000000e-01, v2;
	(erf) = vrcp.f32 v2  }
0x85: {  	v2 =	vsub.s32 $0x5F3759DF, v3  }
0x86: {  	v3 =	vmul.f32 v2, v4;
	_ =	sdelay $0x1  }
0x87: {  	v5 =	vmov s19;
	v3 =	vmul.f32 v2, v3  }
0x88: {  	v5 =	vsub.s32 $0x2710, v5  }
0x89: {  	v6 =	vcvt.s32.f32 v5;
	v3 =	vsub.f32 $1.500000000e+00, v3;
	_ =	sdelay $0x1  }
0x8a: {  	v2 =	vmul.f32 v2, v3;
	v3 =	vmax.f32 v6, $0.0e+00  }
0x8b: {  	v3 =	vmin.f32 v3, $1.000000000e+00;
	v5 =	vpop (erf)  }
0x8c: {  	v6 =	vmul.f32 v2, v4;
	v5 =	vmul.f32 $8.999999760e-01, v5  }
0x8d: {  	v7 =	vbroadcast v3, $0x0  }
0x8e: {  	v3 =	vmul.f32 v6, v2  }
0x8f: {  	v5 =	vmul.f32 v5, v7  }
0x90: {  	v3 =	vsub.f32 $1.500000000e+00, v3;
	_ =	sdelay $0x1  }
0x91: {  	v3 =	vmul.f32 v3, v2;
	_ =	sdelay $0x1  }
0x92: {  	v2 =	vmul.f32 v3, v4;
	_ =	sdelay $0x1  }
0x93: {  	v2 =	vmul.f32 v2, v3;
	_ =	sdelay $0x1  }
0x94: {  	v4 =	vsub.f32 $1.500000000e+00, v2;
	[tilespmem:v1+s10+$0x0 ss:$0x1] =	vst.idx.msk $0xffff, v5  }
0x95: {  	v2 =	vld [tilespmem:s22+$0xFFFFFFF8]  }
.Ltmp1:
0x96: {  	v4 =	vmul.f32 v4, v3;
	v3 =	vld [tilespmem:s22+$0x0];
	(pc) =	sbr.rel @p0 .LBB2_5-.Ltmp1, $3  }
0x97: {  	_ = 	snop  }
0x98: {  	v5 =	vmul.f32 v4, v7;
	_ =	sdelay $0x1  }
0x99: {  	v6 =	vmul.f32 v5, v2;
	v4 =	vmul.f32 $1.000000010e-01, v5  }
0x9a: {  	v1 =	vmul.f32 v5, v3  }
0x9b: {  	s10 =	smul.u32 $0x60, s21;
	[tilespmem:s15+$0xFFFFFFF8] =	vst v6;
	v2 =	vmul.f32 v4, v2  }
0x9c: {  	s20 =	sadd.s32 $0x1, s20;
	v3 =	vmul.f32 v4, v3;
	[tilespmem:s15+$0x0] =	vst v1  }
0x9d: {  	p0 =	sne.s32 s20, $0xA;
	s10 =	sshra.s32 s10, $0x2;
	[tilespmem:s17+$0xFFFFFFF8] =	vst v2  }
.Ltmp2:
0x9e: {  	[tilespmem:s17+$0x0] =	vst v3;
	s10 =	sadd.s32 s10, s5;
	(pc) =	sbr.rel @p0 .LBB2_4-.Ltmp2, $4  }
0x9f: {  	[spmem:s10] =	stream.linear.scatter [tilespmem:s1], [sflag:$0x2], $0x600, $0x38;
	[tilespmem:$0x1A800] =	vst v63  }
0xa0: {  	_ =	swait.ge [sflag:s25], $0x600  }
0xa1: {  	s30 =	sadd.s32 $0x600, s30;
	[sflag:s25] =	ssyncset.done $0x0  }
0xa2: {  	s18 =	sadd.s32 $0x400, s18;
	s31 =	sadd.s32 $0x40, s31;
	[sflag:s25] =	ssyncadd.s32 $0xFFFFFA00  }
0xa3: {  	[bflag:$0x0] =	sbarrier.arrive $0xFFFF;
	s16 =	simm.s32 $0x0;
	s22 =	simm.s32 $0xC780  }
.LBB2_8:
0xa4: {  	[tilespmem:s26], [sflag:$0x1] =	stream.indirect.gather [spmem:s5], $0x18, s24, s0, $0xb8;
	[tilespmem:$0x1A800] =	vst v63  }
0xa5: {  	_ =	swait.ge [sflag:s28], $0xC00  }
0xa6: {  	[sflag:s28] =	ssyncset.done $0x0  }
0xa7: {  	s10 =	simm.s32 $0x7880;
	[sflag:s28] =	ssyncadd.s32 $0xFFFFF400  }
0xa8: {  	[tilespmem:s9], [sflag:$0x1] =	stream.indirect.gather [spmem:s5], $0x18, s10, s0, $0xb8;
	[tilespmem:$0x1A800] =	vst v63  }
0xa9: {  	s23 =	simm.s32 $0xC800  }
0xaa: {  	[spmem:s4] =	stream.indirect.scatter.add.f32 [tilespmem:s26], [sflag:$0x2], $0x18, s23, s0, $0xb8;
	[tilespmem:$0x1A800] =	vst v63  }
0xab: {  	_ =	swait.ge [sflag:s25], $0xC00  }
0xac: {  	[sflag:s25] =	ssyncset.done $0x0  }
0xad: {  	[sflag:s25] =	ssyncadd.s32 $0xFFFFF400  }
0xae: {  	_ =	swait.ge [sflag:s28], $0xC00  }
0xaf: {  	[sflag:s28] =	ssyncset.done $0x0  }
0xb0: {  	s30 =	simm.s32 $0x7900;
	[sflag:s28] =	ssyncadd.s32 $0xFFFFF400  }
0xb1: {  	[tilespmem:s26], [sflag:$0x1] =	stream.indirect.gather [spmem:s5], $0x18, s30, s0, $0xb8;
	[tilespmem:$0x1A800] =	vst v63  }
0xb2: {  	s31 =	simm.s32 $0xC880  }
0xb3: {  	[spmem:s4] =	stream.indirect.scatter.add.f32 [tilespmem:s9], [sflag:$0x2], $0x18, s31, s0, $0xb8;
	[tilespmem:$0x1A800] =	vst v63  }
0xb4: {  	_ =	swait.ge [sflag:s25], $0xC00  }
0xb5: {  	s10 =	simm.s32 $0x400;
	[sflag:s25] =	ssyncset.done $0x0  }
.LBB2_9:
0xb6: {  	p0 =	sne.s32 s10, $0x13800  }
0xb7: {  	[sflag:s25] =	ssyncadd.s32 $0xFFFFF400;
	s12 =	smov.u32 s10;
	s10 =	sadd.s32 $0x400, s10  }
0xb8: {  	_ = 	snop  }
0xb9: {  	_ =	swait.ge [sflag:s28], $0xC00  }
0xba: {  	s12 =	sshra.s32 s12, $0x2;
	[sflag:s28] =	ssyncset.done $0x0  }
0xbb: {  	s15 =	sadd.s32 $0x7880, s12;
	[sflag:s28] =	ssyncadd.s32 $0xFFFFF400  }
0xbc: {  	[tilespmem:s9], [sflag:$0x1] =	stream.indirect.gather [spmem:s5], $0x18, s15, s0, $0xb8;
	[tilespmem:$0x1A800] =	vst v63  }
0xbd: {  	s15 =	sadd.s32 $0xC800, s12  }
0xbe: {  	[spmem:s4] =	stream.indirect.scatter.add.f32 [tilespmem:s26], [sflag:$0x2], $0x18, s15, s0, $0xb8;
	[tilespmem:$0x1A800] =	vst v63  }
0xbf: {  	_ =	swait.ge [sflag:s25], $0xC00  }
0xc0: {  	[sflag:s25] =	ssyncset.done $0x0  }
0xc1: {  	[sflag:s25] =	ssyncadd.s32 $0xFFFFF400  }
0xc2: {  	_ =	swait.ge [sflag:s28], $0xC00  }
0xc3: {  	[sflag:s28] =	ssyncset.done $0x0  }
0xc4: {  	s15 =	sadd.s32 $0x7900, s12;
	[sflag:s28] =	ssyncadd.s32 $0xFFFFF400  }
0xc5: {  	[tilespmem:s26], [sflag:$0x1] =	stream.indirect.gather [spmem:s5], $0x18, s15, s0, $0xb8;
	[tilespmem:$0x1A800] =	vst v63  }
.Ltmp3:
0xc6: {  	_ = 	snop;
	(pc) =	sbr.rel @p0 .LBB2_9-.Ltmp3, $4  }
0xc7: {  	s12 =	sadd.s32 $0xC880, s12  }
0xc8: {  	[spmem:s4] =	stream.indirect.scatter.add.f32 [tilespmem:s9], [sflag:$0x2], $0x18, s12, s0, $0xb8;
	[tilespmem:$0x1A800] =	vst v63  }
0xc9: {  	_ =	swait.ge [sflag:s25], $0xC00  }
0xca: {  	[sflag:s25] =	ssyncset.done $0x0  }
0xcb: {  	[sflag:s25] =	ssyncadd.s32 $0xFFFFF400  }
0xcc: {  	_ =	swait.ge [sflag:s28], $0xC00  }
0xcd: {  	[sflag:s28] =	ssyncset.done $0x0  }
0xce: {  	[sflag:s28] =	ssyncadd.s32 $0xFFFFF400  }
0xcf: {  	[tilespmem:s9], [sflag:$0x1] =	stream.indirect.gather [spmem:s5], $0x18, s22, s0, $0xb8;
	[tilespmem:$0x1A800] =	vst v63  }
0xd0: {  	_ = 	snop  }
0xd1: {  	[spmem:s4] =	stream.indirect.scatter.add.f32 [tilespmem:s26], [sflag:$0x2], $0x18, s11, s0, $0xb8;
	[tilespmem:$0x1A800] =	vst v63  }
0xd2: {  	_ =	swait.ge [sflag:s25], $0xC00  }
0xd3: {  	[sflag:s25] =	ssyncset.done $0x0  }
0xd4: {  	[sflag:s25] =	ssyncadd.s32 $0xFFFFF400  }
0xd5: {  	_ =	swait.ge [sflag:s28], $0xC00  }
0xd6: {  	[sflag:s28] =	ssyncset.done $0x0  }
0xd7: {  	[sflag:s28] =	ssyncadd.s32 $0xFFFFF400  }
0xd8: {  	[spmem:s4] =	stream.indirect.scatter.add.f32 [tilespmem:s9], [sflag:$0x2], $0x18, s14, s0, $0xb8;
	[tilespmem:$0x1A800] =	vst v63  }
0xd9: {  	_ =	swait.ge [sflag:s25], $0xC00  }
0xda: {  	[sflag:s25] =	ssyncset.done $0x0  }
0xdb: {  	s12 =	simm.s32 $0x0;
	[sflag:s25] =	ssyncadd.s32 $0xFFFFF400  }
0xdc: {  	s15 =	simm.s32 $0x11808;
	s17 =	simm.s32 $0x15400;
	[bflag:$0x0] =	sbarrier.arrive $0xFFFF  }
.LBB2_11:
0xdd: {  	s10 =	sshll.u32 s12, $0x6  }
0xde: {  	s10 =	sadd.s32 s2, s10  }
0xdf: {  	s18 =	smul.u32 $0x18, s10;
	_ =	sdelay $0x1  }
0xe0: {  	s10 =	sadd.s32 s18, s4  }
0xe1: {  	[tilespmem:s1], [sflag:$0x2] =	stream.linear.gather [spmem:s10], $0x600, $0x38;
	[tilespmem:$0x1A800] =	vst v63  }
0xe2: {  	_ =	swait.ge [sflag:s25], $0x600  }
0xe3: {  	v1 =	vmov s15;
	[sflag:s25] =	ssyncset.done $0x0  }
0xe4: {  	[sflag:s25] =	ssyncadd.s32 $0xFFFFFA00  }
0xe5: {  	s19 =	simm.s32 $0x0;
	v2 =	vld [tilespmem:s17+$0x0]  }
0xe6: {  	v3 =	vld [tilespmem:s19+$0x17C00];
	_ =	sdelay $0x1  }
0xe7: {  	v4 =	vld.idx.msk [tilespmem:v1+s19+$0xFFFFFFF8 ss:$0x1], $0xffff;
	_ =	sdelay $0x2  }
0xe8: {  	v3 =	vmul.f32 v3, v2;
	_ =	sdelay $0x1  }
0xe9: {  	v3 =	vadd.f32 v4, v3  }
0xea: {  	v63 =	vld [tilespmem:s19+$0x17C08]  }
0xeb: {  	[tilespmem:s19+$0x17C00] =	vst v3  }
0xec: {  	v3 =	vld.idx.msk [tilespmem:v1+s19+$0x0 ss:$0x1], $0xffff;
	_ =	sdelay $0x2  }
0xed: {  	v2 =	vmul.f32 v63, v2;
	_ =	sdelay $0x1  }
0xee: {  	s20 =	simm.s32 $0x60;
	s21 =	smov.u32 s17;
	v2 =	vadd.f32 v3, v2  }
.LBB2_12:
0xef: {  	p0 =	sne.s32 s20, $0x17A0  }
0xf0: {  	s21 =	sadd.s32 $0x10, s21;
	[tilespmem:s19+$0x17C08] =	vst v2;
	s19 =	smov.u32 s20;
	s20 =	sadd.s32 $0x60, s20  }
0xf1: {  	v2 =	vld [tilespmem:s21+$0x0];
	s19 =	sshra.s32 s19, $0x2  }
0xf2: {  	v3 =	vld [tilespmem:s19+$0x17C00]  }
0xf3: {  	v4 =	vld.idx.msk [tilespmem:v1+s19+$0xFFFFFFF8 ss:$0x1], $0xffff;
	_ =	sdelay $0x3  }
0xf4: {  	v3 =	vmul.f32 v3, v2;
	_ =	sdelay $0x1  }
0xf5: {  	v3 =	vadd.f32 v4, v3  }
0xf6: {  	v4 =	vld [tilespmem:s19+$0x17C08]  }
0xf7: {  	[tilespmem:s19+$0x17C00] =	vst v3  }
0xf8: {  	v3 =	vld.idx.msk [tilespmem:v1+s19+$0x0 ss:$0x1], $0xffff;
	_ =	sdelay $0x1  }
.Ltmp4:
0xf9: {  	(pc) =	sbr.rel @p0 .LBB2_12-.Ltmp4, $2  }
0xfa: {  	v2 =	vmul.f32 v4, v2;
	_ =	sdelay $0x2  }
0xfb: {  	v2 =	vadd.f32 v3, v2  }
0xfc: {  	_ = 	snop  }
0xfd: {  	s18 =	sadd.s32 s18, s5;
	[tilespmem:s19+$0x17C08] =	vst v2  }
0xfe: {  	[spmem:s18] =	stream.linear.scatter [tilespmem:s1], [sflag:$0x2], $0x600, $0x38;
	[tilespmem:$0x1A800] =	vst v63  }
0xff: {  	s12 =	sadd.s32 $0x1, s12;
	_ =	swait.ge [sflag:s25], $0x600  }
0x100: {  	p0 =	sne.s32 s12, $0xA;
	[sflag:s25] =	ssyncset.done $0x0  }
.Ltmp5:
0x101: {  	[sflag:s25] =	ssyncadd.s32 $0xFFFFFA00;
	(pc) =	sbr.rel @p0 .LBB2_11-.Ltmp5, $4  }
0x102: {  	[spmem:s10] =	stream.linear.scatter [tilespmem:s29], [sflag:$0x2], $0x600, $0x38;
	[tilespmem:$0x1A800] =	vst v63  }
0x103: {  	_ =	swait.ge [sflag:s25], $0x600  }
0x104: {  	[sflag:s25] =	ssyncset.done $0x0  }
0x105: {  	s15 =	sadd.s32 $0x600, s15;
	s17 =	sadd.s32 $0x400, s17;
	[sflag:s25] =	ssyncadd.s32 $0xFFFFFA00  }
0x106: {  	s16 =	sadd.s32 $0x1, s16  }
0x107: {  	p0 =	sne.s32 s16, $0x9  }
.Ltmp6:
0x108: {  	_ = 	snop;
	(pc) =	sbr.rel @p0 .LBB2_8-.Ltmp6, $2  }
0x109: {  	_ =	sdelay $0x1  }
0x10a: {  	[bflag:$0x0] =	sbarrier.arrive $0xFFFF;
	_ =	sdelay $0x1  }
0x10b: {  	[tilespmem:s26], [sflag:$0x1] =	stream.indirect.gather [spmem:s5], $0x18, s24, s0, $0xb8;
	[tilespmem:$0x1A800] =	vst v63  }
0x10c: {  	_ =	swait.ge [sflag:s28], $0xC00  }
0x10d: {  	[sflag:s28] =	ssyncset.done $0x0  }
0x10e: {  	s10 =	simm.s32 $0x7880;
	[sflag:s28] =	ssyncadd.s32 $0xFFFFF400  }
0x10f: {  	[tilespmem:s9], [sflag:$0x1] =	stream.indirect.gather [spmem:s5], $0x18, s10, s0, $0xb8;
	[tilespmem:$0x1A800] =	vst v63  }
0x110: {  	s23 =	simm.s32 $0xC800  }
0x111: {  	[spmem:s4] =	stream.indirect.scatter.add.f32 [tilespmem:s26], [sflag:$0x2], $0x18, s23, s0, $0xb8;
	[tilespmem:$0x1A800] =	vst v63  }
0x112: {  	_ =	swait.ge [sflag:s25], $0xC00  }
0x113: {  	[sflag:s25] =	ssyncset.done $0x0  }
0x114: {  	[sflag:s25] =	ssyncadd.s32 $0xFFFFF400  }
0x115: {  	_ =	swait.ge [sflag:s28], $0xC00  }
0x116: {  	[sflag:s28] =	ssyncset.done $0x0  }
0x117: {  	s30 =	simm.s32 $0x7900;
	[sflag:s28] =	ssyncadd.s32 $0xFFFFF400  }
0x118: {  	[tilespmem:s26], [sflag:$0x1] =	stream.indirect.gather [spmem:s5], $0x18, s30, s0, $0xb8;
	[tilespmem:$0x1A800] =	vst v63  }
0x119: {  	s31 =	simm.s32 $0xC880  }
0x11a: {  	[spmem:s4] =	stream.indirect.scatter.add.f32 [tilespmem:s9], [sflag:$0x2], $0x18, s31, s0, $0xb8;
	[tilespmem:$0x1A800] =	vst v63  }
0x11b: {  	_ =	swait.ge [sflag:s25], $0xC00  }
0x11c: {  	s10 =	simm.s32 $0x400;
	[sflag:s25] =	ssyncset.done $0x0  }
.LBB2_16:
0x11d: {  	p0 =	sne.s32 s10, $0x13800  }
0x11e: {  	[sflag:s25] =	ssyncadd.s32 $0xFFFFF400;
	s12 =	smov.u32 s10;
	s10 =	sadd.s32 $0x400, s10  }
0x11f: {  	_ = 	snop  }
0x120: {  	_ =	swait.ge [sflag:s28], $0xC00  }
0x121: {  	s12 =	sshra.s32 s12, $0x2;
	[sflag:s28] =	ssyncset.done $0x0  }
0x122: {  	s15 =	sadd.s32 $0x7880, s12;
	[sflag:s28] =	ssyncadd.s32 $0xFFFFF400  }
0x123: {  	[tilespmem:s9], [sflag:$0x1] =	stream.indirect.gather [spmem:s5], $0x18, s15, s0, $0xb8;
	[tilespmem:$0x1A800] =	vst v63  }
0x124: {  	s15 =	sadd.s32 $0xC800, s12  }
0x125: {  	[spmem:s4] =	stream.indirect.scatter.add.f32 [tilespmem:s26], [sflag:$0x2], $0x18, s15, s0, $0xb8;
	[tilespmem:$0x1A800] =	vst v63  }
0x126: {  	_ =	swait.ge [sflag:s25], $0xC00  }
0x127: {  	[sflag:s25] =	ssyncset.done $0x0  }
0x128: {  	[sflag:s25] =	ssyncadd.s32 $0xFFFFF400  }
0x129: {  	_ =	swait.ge [sflag:s28], $0xC00  }
0x12a: {  	[sflag:s28] =	ssyncset.done $0x0  }
0x12b: {  	s15 =	sadd.s32 $0x7900, s12;
	[sflag:s28] =	ssyncadd.s32 $0xFFFFF400  }
0x12c: {  	[tilespmem:s26], [sflag:$0x1] =	stream.indirect.gather [spmem:s5], $0x18, s15, s0, $0xb8;
	[tilespmem:$0x1A800] =	vst v63  }
.Ltmp7:
0x12d: {  	_ = 	snop;
	(pc) =	sbr.rel @p0 .LBB2_16-.Ltmp7, $4  }
0x12e: {  	s12 =	sadd.s32 $0xC880, s12  }
0x12f: {  	[spmem:s4] =	stream.indirect.scatter.add.f32 [tilespmem:s9], [sflag:$0x2], $0x18, s12, s0, $0xb8;
	[tilespmem:$0x1A800] =	vst v63  }
0x130: {  	_ =	swait.ge [sflag:s25], $0xC00  }
0x131: {  	[sflag:s25] =	ssyncset.done $0x0  }
0x132: {  	[sflag:s25] =	ssyncadd.s32 $0xFFFFF400  }
0x133: {  	_ =	swait.ge [sflag:s28], $0xC00  }
0x134: {  	[sflag:s28] =	ssyncset.done $0x0  }
0x135: {  	[sflag:s28] =	ssyncadd.s32 $0xFFFFF400  }
0x136: {  	[tilespmem:s9], [sflag:$0x1] =	stream.indirect.gather [spmem:s5], $0x18, s22, s0, $0xb8;
	[tilespmem:$0x1A800] =	vst v63  }
0x137: {  	_ = 	snop  }
0x138: {  	[spmem:s4] =	stream.indirect.scatter.add.f32 [tilespmem:s26], [sflag:$0x2], $0x18, s11, s0, $0xb8;
	[tilespmem:$0x1A800] =	vst v63  }
0x139: {  	_ =	swait.ge [sflag:s25], $0xC00  }
0x13a: {  	[sflag:s25] =	ssyncset.done $0x0  }
0x13b: {  	[sflag:s25] =	ssyncadd.s32 $0xFFFFF400  }
0x13c: {  	_ =	swait.ge [sflag:s28], $0xC00  }
0x13d: {  	[sflag:s28] =	ssyncset.done $0x0  }
0x13e: {  	[sflag:s28] =	ssyncadd.s32 $0xFFFFF400  }
0x13f: {  	[spmem:s4] =	stream.indirect.scatter.add.f32 [tilespmem:s9], [sflag:$0x2], $0x18, s14, s0, $0xb8;
	[tilespmem:$0x1A800] =	vst v63  }
0x140: {  	_ =	swait.ge [sflag:s25], $0xC00  }
0x141: {  	[sflag:s25] =	ssyncset.done $0x0  }
0x142: {  	s16 =	simm.s32 $0x0;
	[sflag:s25] =	ssyncadd.s32 $0xFFFFF400  }
0x143: {  	s17 =	simm.s32 $0x11808;
	s18 =	simm.s32 $0x15400;
	[bflag:$0x0] =	sbarrier.arrive $0xFFFF  }
.LBB2_18:
0x144: {  	s10 =	sshll.u32 s16, $0x6  }
0x145: {  	s19 =	sadd.s32 s2, s10  }
0x146: {  	s10 =	smul.u32 $0x60, s19;
	_ =	sdelay $0x1  }
0x147: {  	s10 =	sshra.s32 s10, $0x2  }
0x148: {  	s10 =	sadd.s32 s10, s4  }
0x149: {  	[tilespmem:s1], [sflag:$0x2] =	stream.linear.gather [spmem:s10], $0x600, $0x38;
	[tilespmem:$0x1A800] =	vst v63  }
0x14a: {  	_ =	swait.ge [sflag:s25], $0x600  }
0x14b: {  	[sflag:s25] =	ssyncset.done $0x0  }
0x14c: {  	[sflag:s25] =	ssyncadd.s32 $0xFFFFFA00  }
0x14d: {  	v2 =	vld [tilespmem:s18+$0x0]  }
0x14e: {  	v1 =	vmov s17;
	s15 =	simm.s32 $0x60;
	s12 =	simm.s32 $0x0;
	s20 =	smov.u32 s18  }
.LBB2_19:
0x14f: {  	p0 =	sne.s32 s15, $0x17A0;
	_ =	sdelay $0x2  }
0x150: {  	v3 =	vmul.f32 $1.111111160e+00, v2;
	_ =	sdelay $0x1  }
0x151: {  	v4 =	vshrl.u32 v3, $0x1;
	v3 =	vmul.f32 $5.000000000e-01, v3  }
0x152: {  	v4 =	vsub.s32 $0x5F3759DF, v4  }
0x153: {  	v5 =	vmul.f32 v4, v3;
	_ =	sdelay $0x1  }
0x154: {  	v5 =	vmul.f32 v4, v5;
	_ =	sdelay $0x1  }
0x155: {  	v5 =	vsub.f32 $1.500000000e+00, v5;
	_ =	sdelay $0x1  }
0x156: {  	v4 =	vmul.f32 v4, v5;
	_ =	sdelay $0x1  }
0x157: {  	v5 =	vmul.f32 v4, v3;
	_ =	sdelay $0x1  }
0x158: {  	v5 =	vmul.f32 v5, v4;
	_ =	sdelay $0x1  }
0x159: {  	v5 =	vsub.f32 $1.500000000e+00, v5  }
0x15a: {  	s10 =	sshra.s32 s12, $0x2;
	s12 =	smov.u32 s15  }
0x15b: {  	v4 =	vmul.f32 v5, v4;
	v5 =	vld.idx.msk [tilespmem:v1+s10+$0xFFFFFFF8 ss:$0x1], $0xffff  }
0x15c: {  	v6 =	vld [tilespmem:s10+$0x17C00]  }
0x15d: {  	v3 =	vmul.f32 v4, v3;
	v7 =	vld [tilespmem:s10+$0x17C08]  }
0x15e: {  	v8 =	vld.idx.msk [tilespmem:v1+s10+$0x0 ss:$0x1], $0xffff  }
0x15f: {  	v3 =	vmul.f32 v3, v4;
	_ =	sdelay $0x1  }
0x160: {  	v3 =	vsub.f32 $1.500000000e+00, v3;
	v6 =	vmul.f32 v6, v2  }
0x161: {  	v2 =	vmul.f32 v7, v2  }
0x162: {  	v3 =	vmul.f32 v3, v4;
	v4 =	vadd.f32 v5, v6  }
0x163: {  	v2 =	vadd.f32 v8, v2  }
0x164: {  	v4 =	vmul.f32 v3, v4  }
.Ltmp8:
0x165: {  	v2 =	vmul.f32 v3, v2;
	(pc) =	sbr.rel @p0 .LBB2_19-.Ltmp8, $4  }
0x166: {  	[tilespmem:s10+$0x17C00] =	vst v4  }
0x167: {  	s20 =	sadd.s32 $0x10, s20;
	[tilespmem:s10+$0x17C08] =	vst v2  }
0x168: {  	v2 =	vld [tilespmem:s20+$0x0]  }
0x169: {  	s15 =	sadd.s32 $0x60, s15  }
0x16a: {  	_ =	sdelay $0x2  }
0x16b: {  	v3 =	vmul.f32 $1.111111160e+00, v2;
	_ =	sdelay $0x1  }
0x16c: {  	v4 =	vshrl.u32 v3, $0x1;
	v3 =	vmul.f32 $5.000000000e-01, v3  }
0x16d: {  	v4 =	vsub.s32 $0x5F3759DF, v4  }
0x16e: {  	v5 =	vmul.f32 v4, v3;
	_ =	sdelay $0x1  }
0x16f: {  	v5 =	vmul.f32 v4, v5;
	_ =	sdelay $0x1  }
0x170: {  	v5 =	vsub.f32 $1.500000000e+00, v5;
	_ =	sdelay $0x1  }
0x171: {  	v4 =	vmul.f32 v4, v5;
	_ =	sdelay $0x1  }
0x172: {  	v5 =	vmul.f32 v4, v3;
	_ =	sdelay $0x1  }
0x173: {  	v5 =	vmul.f32 v5, v4;
	_ =	sdelay $0x1  }
0x174: {  	v5 =	vsub.f32 $1.500000000e+00, v5;
	_ =	sdelay $0x1  }
0x175: {  	s10 =	sshra.s32 s12, $0x2;
	v4 =	vmul.f32 v5, v4  }
0x176: {  	v62 =	vld [tilespmem:s10+$0x17C00]  }
0x177: {  	v6 =	vld [tilespmem:s10+$0x17C08];
	v3 =	vmul.f32 v4, v3  }
0x178: {  	v7 =	vld.idx.msk [tilespmem:v1+s10+$0xFFFFFFF8 ss:$0x1], $0xffff  }
0x179: {  	v1 =	vld.idx.msk [tilespmem:v1+s10+$0x0 ss:$0x1], $0xffff;
	v3 =	vmul.f32 v3, v4;
	_ =	sdelay $0x1  }
0x17a: {  	v5 =	vmul.f32 v62, v2;
	v3 =	vsub.f32 $1.500000000e+00, v3  }
0x17b: {  	v2 =	vmul.f32 v6, v2  }
0x17c: {  	v63 =	vadd.f32 v7, v5;
	v3 =	vmul.f32 v3, v4  }
0x17d: {  	v1 =	vadd.f32 v1, v2  }
0x17e: {  	s30 =	sadd.s32 s3, s19;
	v2 =	vmul.f32 v3, v63  }
0x17f: {  	s16 =	sadd.s32 $0x1, s16;
	s12 =	smul.u32 $0x3, s30;
	v1 =	vmul.f32 v3, v1  }
0x180: {  	p0 =	sne.s32 s16, $0xA;
	[tilespmem:s10+$0x17C00] =	vst v2  }
.Ltmp9:
0x181: {  	s31 =	sadd.s32 s8, s12;
	[tilespmem:s10+$0x17C08] =	vst v1;
	(pc) =	sbr.rel @p0 .LBB2_18-.Ltmp9, $4  }
0x182: {  	[hbm4b:s31+s6] =	stream.linear.scatter [tilespmem:s1], [sflag:$0x2], $0x600, $0x38;
	[tilespmem:$0x1A800] =	vst v63  }
0x183: {  	_ =	swait.ge [sflag:s25], $0x600  }
0x184: {  	[sflag:s25] =	ssyncset.done $0x0  }
0x185: {  	s17 =	sadd.s32 $0x600, s17;
	s18 =	sadd.s32 $0x400, s18;
	[sflag:s25] =	ssyncadd.s32 $0xFFFFFA00  }
0x186: {  	s12 =	rddreg [dreg:$0x13]  }
0x187: {  	s10 =	rddreg [dreg:$0x9];
	s12 =	sadd.s32 $0x1, s12  }
0x188: {  	p0 =	sne.s32 s12, s10  }
.Ltmp10:
0x189: {  	_ = 	snop;
	(pc) =	sbr.rel @p0 .LBB2_1-.Ltmp10, $1  }
0x18a: {  	_ =	sdelay $0x3  }
0x18b: {  	_ =	sfence.sel $0x180000  }
0x18c: {  	[bflag:$0x0] =	sbarrier.arrive $0xFFFF  }
0x18d: {  	_ =	strace $0x9000004A  }
0x18e: {  	s0 =	stileid.u32;
	[bflag:$0x2] =	sbarrier.arrive $0xFFFF  }
0x18f: {  	p0 =	sne.s32 s0, $0x0;
	s0 =	rddreg [dreg:$0x4]  }
0x190: {  	s0 =	sadd.s32 @!p0 $0x100000, s0  }
0x191: {  	[sflag:s0] =	ssyncadd.tile.s32 @!p0 $0x1;
	_ =	shalt  }
.Lfunc_end2:
_tile_overlayer_lowered:
.L_overlay_start_2:
0x192: {  	(tag) =	ssettag $0x2  }
0x193: {  	s0 =	rddreg [dreg:$0x0];
	s2 =	stileid.u32  }
0x194: {  	s1 =	rddreg [dreg:$0x1];
	p0 =	sne.s32 s2, $0x0  }
0x195: {  	s3 =	rddreg [dreg:$0x2];
	[bflag:$0x3] =	sbarrier.arrive $0xFFFF;
	s2 =	simm.s32 @!p0 $0x1C02  }
0x196: {  	[timem:s3], [sflag:s2] =	dma.local @!p0 [hbm:s0], s1  }
0x197: {  	s0 =	simm.s32 @!p0 $0x2  }
0x198: {  	_ =	swait.ge @!p0 [sflag:s0], s1  }
0x199: {  	s1 =	ssub.s32 @!p0 $0x0, s1;
	[sflag:s0] =	ssyncset.done @!p0 $0x0  }
0x19a: {  	[sflag:s0] =	ssyncadd.s32 @!p0 s1  }
0x19b: {  	[bflag:$0x3] =	sbarrier.arrive $0xFFFF  }
0x19c: {  	_ =	shalt  }

</sc_bundles>
